<compile_context>
chip_gen: v7x
topology: tpu7x:2x2x1
jax: 0.10.2.dev20260603
libtpu: 0.0.44.dev20260713+nightly
codegen_flags: <defaults>
</compile_context>

<pallas_src>
import functools

import jax
import jax.numpy as jnp
from jax import lax
from jax.experimental import pallas as pl
from jax.experimental.pallas import tpu as pltpu
from jax.experimental.pallas import tpu_sc as plsc

N = 10000
E = 320000
D = 128
DOUT = 64

NC = 2
NS = 16
NW = NC * NS
EPW = E // NW
CH = 80
NCHUNK = EPW // CH
NP = 10240
RPT = NP // NS


def _sc_agg_body(h_hbm, src_hbm, dst2_hbm, zrow_hbm, out_hbm,
                 sidx, didx, rows, acc, gsem):
    cid = lax.axis_index("c")
    sid = lax.axis_index("s")
    wid = cid * NS + sid
    r0 = sid * RPT

    pltpu.sync_copy(zrow_hbm, acc.at[pl.ds(r0, RPT)])
    pltpu.sync_copy(src_hbm.at[pl.ds(wid * EPW, EPW)], sidx)
    pltpu.sync_copy(dst2_hbm.at[wid], didx)
    plsc.subcore_barrier()

    pltpu.async_copy(h_hbm.at[sidx.at[pl.ds(0, CH)]], rows.at[0], gsem)

    def pair(j2, carry):
        for b in range(2):
            j = 2 * j2 + b
            pltpu.make_async_copy(h_hbm.at[pl.ds(0, CH)], rows.at[b], gsem).wait()

            @pl.when(j < NCHUNK - 1)
            def _():
                off = (j + 1) * CH
                pltpu.async_copy(h_hbm.at[sidx.at[pl.ds(off, CH)]],
                                 rows.at[1 - b], gsem)

            pltpu.sync_copy(rows.at[b], acc.at[didx.at[j]], add=True)
        return carry

    lax.fori_loop(0, NCHUNK // 2, pair, 0)
    pltpu.make_async_copy(h_hbm.at[pl.ds(0, CH)], rows.at[0], gsem).wait()
    pltpu.sync_copy(rows.at[0], acc.at[didx.at[NCHUNK - 1]], add=True)
    plsc.subcore_barrier()

    pltpu.sync_copy(acc.at[pl.ds(r0, RPT)], out_hbm.at[cid, pl.ds(r0, RPT)])


_sc_agg = pl.kernel(
    _sc_agg_body,
    out_type=jax.ShapeDtypeStruct((NC, NP, D), jnp.float32),
    mesh=plsc.VectorSubcoreMesh(core_axis_name="c", subcore_axis_name="s"),
    scratch_types=[
        pltpu.VMEM((EPW,), jnp.int32),
        pltpu.VMEM((NCHUNK, CH), jnp.int32),
        pltpu.VMEM((2, CH, D), jnp.float32),
        pltpu.VMEM_SHARED((NP, D), jnp.float32),
        pltpu.SemaphoreType.DMA,
    ],
    name="sc_seg_agg",
)


def _sc_cnt_body(dst2_hbm, zrow_hbm, out_hbm, didx, rows1, acc):
    cid = lax.axis_index("c")
    sid = lax.axis_index("s")
    wid = cid * NS + sid
    r0 = sid * RPT

    pltpu.sync_copy(zrow_hbm, acc.at[pl.ds(r0, RPT)])
    pltpu.sync_copy(dst2_hbm.at[wid], didx)
    ones16 = jnp.ones((16,), jnp.float32)

    def fill(r, carry):
        for k in range(D // 16):
            rows1[r, pl.ds(16 * k, 16)] = ones16
        return carry

    lax.fori_loop(0, CH, fill, 0)
    plsc.subcore_barrier()

    def chunk(j, carry):
        pltpu.sync_copy(rows1, acc.at[didx.at[j]], add=True)
        return carry

    lax.fori_loop(0, NCHUNK, chunk, 0)
    plsc.subcore_barrier()

    pltpu.sync_copy(acc.at[pl.ds(r0, RPT)], out_hbm.at[cid, pl.ds(r0, RPT)])


_sc_cnt = pl.kernel(
    _sc_cnt_body,
    out_type=jax.ShapeDtypeStruct((NC, NP, D), jnp.float32),
    mesh=plsc.VectorSubcoreMesh(core_axis_name="c", subcore_axis_name="s"),
    scratch_types=[
        pltpu.VMEM((NCHUNK, CH), jnp.int32),
        pltpu.VMEM((CH, D), jnp.float32),
        pltpu.VMEM_SHARED((NP, D), jnp.float32),
    ],
    name="sc_seg_cnt",
)


_TCB = 1000


def _tc_layer_body(relu, part_ref, cnt_ref, h_ref, wl_ref, wr_ref, b_ref, o_ref):
    p = part_ref[...]
    c = cnt_ref[...]
    rc = 1.0 / jnp.maximum(c[:, 0:1] + c[:, 1:2], 1.0)
    mean = (p[0] + p[1]) * rc
    y = jnp.dot(mean, wl_ref[...], preferred_element_type=jnp.float32)
    y = y + jnp.dot(h_ref[...], wr_ref[...], preferred_element_type=jnp.float32)
    y = y + b_ref[...]
    if relu:
        y = jnp.maximum(y, 0.0)
    o_ref[...] = y


def _tc_layer(part, cnt2, hprev, wl_t, wr_t, b, relu):
    dout = wl_t.shape[1]
    grid = (N // _TCB,)
    return pl.pallas_call(
        functools.partial(_tc_layer_body, relu),
        grid=grid,
        in_specs=[
            pl.BlockSpec((2, _TCB, D), lambda i: (0, i, 0)),
            pl.BlockSpec((_TCB, 2), lambda i: (i, 0)),
            pl.BlockSpec((_TCB, D), lambda i: (i, 0)),
            pl.BlockSpec((D, dout), lambda i: (0, 0)),
            pl.BlockSpec((D, dout), lambda i: (0, 0)),
            pl.BlockSpec((1, dout), lambda i: (0, 0)),
        ],
        out_specs=pl.BlockSpec((_TCB, dout), lambda i: (i, 0)),
        out_shape=jax.ShapeDtypeStruct((N, dout), jnp.float32),
        name="tc_sage_linear",
    )(part, cnt2, hprev, wl_t, wr_t, b)


def kernel(x, edge_index, W1l, b1l, W1r, W2l, b2l, W2r,
           Wml, bml, Wmr, Wsl, bsl, Wsr):
    src = edge_index[0]
    dst = edge_index[1]
    zrow = jnp.zeros((RPT, D), jnp.float32)
    dst2 = dst.reshape(NW, NCHUNK, CH)
    cnt = _sc_cnt(dst2, zrow)
    cnt2 = jnp.concatenate([cnt[0, :, :1], cnt[1, :, :1]], axis=1)
    agg1 = _sc_agg(x, src, dst2, zrow)

    h1 = _tc_layer(agg1, cnt2, x, W1l.T, W1r.T, b1l.reshape(1, -1), True)
    agg2 = _sc_agg(h1, src, dst2, zrow)
    h2 = _tc_layer(agg2, cnt2, h1, W2l.T, W2r.T, b2l.reshape(1, -1), True)
    agg3 = _sc_agg(h2, src, dst2, zrow)

    wl_t = jnp.concatenate([Wml, Wsl], axis=0).T
    wr_t = jnp.concatenate([Wmr, Wsr], axis=0).T
    bc = jnp.concatenate([bml, bsl], axis=0).reshape(1, -1)
    out = _tc_layer(agg3, cnt2, h2, wl_t, wr_t, bc, False)
    return out[:, :DOUT], out[:, DOUT:]

# --- scband reference (transcript-rebuilt; emitter-appended) ---
"""Pipeline reference for scband-ppiencoder3-36447092474375 (READ-ONLY COPY).

The authoritative reference and input builder live on the scoring server;
editing this copy changes nothing except your own understanding.
"""

import jax, jax.numpy as jnp
import numpy as np

N = 10000
E = 320000
DIN = 128
DMID = 128
DOUT = 64


def sage_conv(x, src, dst, Wl, bl, Wr, n):
    # PyG-style SAGEConv with mean aggregation:
    # out = lin_l(mean_{j in N(i)} x_j) + lin_r(x_i)
    msgs = jnp.take(x, src, axis=0)
    agg = jax.ops.segment_sum(msgs, dst, num_segments=n)
    cnt = jax.ops.segment_sum(jnp.ones((src.shape[0],), x.dtype), dst, num_segments=n)
    mean = agg / jnp.clip(cnt, 1.0)[:, None]
    return mean @ Wl.T + bl + x @ Wr.T


def setup_inputs(seed: int = 0) -> dict:
    key = jax.random.key(seed)
    ks = jax.random.split(key, 16)
    x = jax.random.normal(ks[0], (N, DIN), dtype=jnp.float32)
    edge_index = jax.random.randint(ks[1], (2, E), 0, N)

    def lin(k, dout, din):
        return jax.random.normal(k, (dout, din), dtype=jnp.float32) * (1.0 / np.sqrt(din))

    return {
        "x": x,
        "edge_index": edge_index,
        "W1l": lin(ks[2], DMID, DIN), "b1l": jnp.zeros((DMID,), jnp.float32), "W1r": lin(ks[3], DMID, DIN),
        "W2l": lin(ks[4], DMID, DMID), "b2l": jnp.zeros((DMID,), jnp.float32), "W2r": lin(ks[5], DMID, DMID),
        "Wml": lin(ks[6], DOUT, DMID), "bml": jnp.zeros((DOUT,), jnp.float32), "Wmr": lin(ks[7], DOUT, DMID),
        "Wsl": lin(ks[8], DOUT, DMID), "bsl": jnp.zeros((DOUT,), jnp.float32), "Wsr": lin(ks[9], DOUT, DMID),
    }


def reference(x, edge_index, W1l, b1l, W1r, W2l, b2l, W2r, Wml, bml, Wmr, Wsl, bsl, Wsr):
    src = edge_index[0]
    dst = edge_index[1]
    h = jax.nn.relu(sage_conv(x, src, dst, W1l, b1l, W1r, N))
    h = jax.nn.relu(sage_conv(h, src, dst, W2l, b2l, W2r, N))
    mu = sage_conv(h, src, dst, Wml, bml, Wmr, N)
    logstd = sage_conv(h, src, dst, Wsl, bsl, Wsr, N)
    return (mu, logstd)

if __name__ == "__main__":
    import jax
    _d = setup_inputs()
    print(jax.jit(kernel)(*tuple(_d.values())))

</pallas_src>

<mosaic_0001>
#map = affine_map<(d0, d1) -> (0, 0)>
#map1 = affine_map<(d0, d1) -> (0)>
#map2 = affine_map<(d0, d1) -> (0, 0, 0)>
module attributes {stable_mosaic.version = 14 : i64} {
  func.func @sc_seg_agg(%arg0: i32, %arg1: i32, %arg2: memref<10000x128xf32, #tpu.memory_space<hbm>>, %arg3: memref<320000xi32, #tpu.memory_space<hbm>>, %arg4: memref<32x125x80xi32, #tpu.memory_space<hbm>>, %arg5: memref<640x128xf32, #tpu.memory_space<hbm>>, %arg6: memref<2x10240x128xf32, #tpu.memory_space<hbm>>, %arg7: memref<10000xi32, #tpu.memory_space<vmem>>, %arg8: memref<125x80xi32, #tpu.memory_space<vmem>>, %arg9: memref<2x80x128xf32, #tpu.memory_space<vmem>>, %arg10: memref<10240x128xf32, #tpu.memory_space<vmem_shared>>, %arg11: memref<!tpu.dma_semaphore, #tpu.memory_space<semaphore_mem>>) attributes {dimension_semantics = [#tpu.dimension_semantics<core_parallel>, #tpu.dimension_semantics<subcore_parallel>], iteration_bounds = array<i64: 2, 16>, scalar_prefetch = 0 : i64, scratch_operands = 5 : i64, tpu.core_type = #tpu.core_type<sc_vector_subcore>, window_params = [{transform_indices = #map}, {transform_indices = #map1}, {transform_indices = #map2}, {transform_indices = #map}, {transform_indices = #map2}]} {
    %mul3A = arith.constant 16 : i32
    %mul3A_0 = arith.muli %arg0, %mul3A : i32
    %add3A = arith.addi %mul3A_0, %arg1 : i32
    %mul3A_1 = arith.constant 640 : i32
    %mul3A_2 = arith.muli %arg1, %mul3A_1 : i32
    "tpu.region"() ({
      %run_scoped3A_35 = tpu.sem_alloc : memref<!tpu.dma_semaphore, #tpu.memory_space<semaphore_mem>>
      %dma_start3A_36 = arith.constant 0 : i32
      %dma_start3A_37 = tpu.memref_slice %arg10[%mul3A_2, %dma_start3A_36] : memref<10240x128xf32, #tpu.memory_space<vmem_shared>> -> memref<640x128xf32, #tpu.memory_space<vmem_shared>>
      tpu.enqueue_dma source(%arg5 : memref<640x128xf32, #tpu.memory_space<hbm>>) target(%dma_start3A_37 : memref<640x128xf32, #tpu.memory_space<vmem_shared>>) target_semaphore(%run_scoped3A_35 : memref<!tpu.dma_semaphore, #tpu.memory_space<semaphore_mem>>)
      %dma_wait3A_38 = arith.constant 0 : i32
      %dma_wait3A_39 = tpu.memref_slice %arg10[%mul3A_2, %dma_wait3A_38] : memref<10240x128xf32, #tpu.memory_space<vmem_shared>> -> memref<640x128xf32, #tpu.memory_space<vmem_shared>>
      tpu.wait_dma2 semaphore(%run_scoped3A_35 : memref<!tpu.dma_semaphore, #tpu.memory_space<semaphore_mem>>) src(%arg5 : memref<640x128xf32, #tpu.memory_space<hbm>>) dst(%dma_wait3A_39 : memref<640x128xf32, #tpu.memory_space<vmem_shared>>)
      tpu.yield
    }) : () -> ()
    %mul3A_3 = arith.constant 10000 : i32
    %mul3A_4 = arith.muli %add3A, %mul3A_3 : i32
    "tpu.region"() ({
      %run_scoped3A_35 = tpu.sem_alloc : memref<!tpu.dma_semaphore, #tpu.memory_space<semaphore_mem>>
      %dma_start3A_36 = tpu.memref_slice %arg3[%mul3A_4] : memref<320000xi32, #tpu.memory_space<hbm>> -> memref<10000xi32, #tpu.memory_space<hbm>>
      %dma_start3A_37 = tpu.memref_slice %arg3[%mul3A_4] : memref<320000xi32, #tpu.memory_space<hbm>> -> memref<10000xi32, #tpu.memory_space<hbm>>
      tpu.enqueue_dma source(%dma_start3A_37 : memref<10000xi32, #tpu.memory_space<hbm>>) target(%arg7 : memref<10000xi32, #tpu.memory_space<vmem>>) target_semaphore(%run_scoped3A_35 : memref<!tpu.dma_semaphore, #tpu.memory_space<semaphore_mem>>)
      %dma_wait3A_38 = tpu.memref_slice %arg3[%mul3A_4] : memref<320000xi32, #tpu.memory_space<hbm>> -> memref<10000xi32, #tpu.memory_space<hbm>>
      %dma_wait3A_39 = tpu.memref_slice %arg3[%mul3A_4] : memref<320000xi32, #tpu.memory_space<hbm>> -> memref<10000xi32, #tpu.memory_space<hbm>>
      tpu.wait_dma2 semaphore(%run_scoped3A_35 : memref<!tpu.dma_semaphore, #tpu.memory_space<semaphore_mem>>) src(%dma_wait3A_39 : memref<10000xi32, #tpu.memory_space<hbm>>) dst(%arg7 : memref<10000xi32, #tpu.memory_space<vmem>>)
      tpu.yield
    }) : () -> ()
    "tpu.region"() ({
      %run_scoped3A_35 = tpu.sem_alloc : memref<!tpu.dma_semaphore, #tpu.memory_space<semaphore_mem>>
      %dma_start3A_36 = arith.constant 0 : i32
      %dma_start3A_37 = arith.constant 0 : i32
      %dma_start3A_38 = tpu.memref_slice %arg4[%add3A, %dma_start3A_36, %dma_start3A_37] : memref<32x125x80xi32, #tpu.memory_space<hbm>> -> memref<1x125x80xi32, #tpu.memory_space<hbm>>
      %dma_start3A_39 = tpu.memref_squeeze %dma_start3A_38 : memref<1x125x80xi32, #tpu.memory_space<hbm>> -> memref<125x80xi32, #tpu.memory_space<hbm>>
      %dma_start3A_40 = arith.constant 0 : i32
      %dma_start3A_41 = arith.constant 0 : i32
      %dma_start3A_42 = tpu.memref_slice %arg4[%add3A, %dma_start3A_40, %dma_start3A_41] : memref<32x125x80xi32, #tpu.memory_space<hbm>> -> memref<1x125x80xi32, #tpu.memory_space<hbm>>
      %dma_start3A_43 = tpu.memref_squeeze %dma_start3A_42 : memref<1x125x80xi32, #tpu.memory_space<hbm>> -> memref<125x80xi32, #tpu.memory_space<hbm>>
      tpu.enqueue_dma source(%dma_start3A_43 : memref<125x80xi32, #tpu.memory_space<hbm>>) target(%arg8 : memref<125x80xi32, #tpu.memory_space<vmem>>) target_semaphore(%run_scoped3A_35 : memref<!tpu.dma_semaphore, #tpu.memory_space<semaphore_mem>>)
      %dma_wait3A_44 = arith.constant 0 : i32
      %dma_wait3A_45 = arith.constant 0 : i32
      %dma_wait3A_46 = tpu.memref_slice %arg4[%add3A, %dma_wait3A_44, %dma_wait3A_45] : memref<32x125x80xi32, #tpu.memory_space<hbm>> -> memref<1x125x80xi32, #tpu.memory_space<hbm>>
      %dma_wait3A_47 = tpu.memref_squeeze %dma_wait3A_46 : memref<1x125x80xi32, #tpu.memory_space<hbm>> -> memref<125x80xi32, #tpu.memory_space<hbm>>
      %dma_wait3A_48 = arith.constant 0 : i32
      %dma_wait3A_49 = arith.constant 0 : i32
      %dma_wait3A_50 = tpu.memref_slice %arg4[%add3A, %dma_wait3A_48, %dma_wait3A_49] : memref<32x125x80xi32, #tpu.memory_space<hbm>> -> memref<1x125x80xi32, #tpu.memory_space<hbm>>
      %dma_wait3A_51 = tpu.memref_squeeze %dma_wait3A_50 : memref<1x125x80xi32, #tpu.memory_space<hbm>> -> memref<125x80xi32, #tpu.memory_space<hbm>>
      tpu.wait_dma2 semaphore(%run_scoped3A_35 : memref<!tpu.dma_semaphore, #tpu.memory_space<semaphore_mem>>) src(%dma_wait3A_51 : memref<125x80xi32, #tpu.memory_space<hbm>>) dst(%arg8 : memref<125x80xi32, #tpu.memory_space<vmem>>)
      tpu.yield
    }) : () -> ()
    %barrier3A = arith.constant 0 : index
    tpu.barrier barrier_id(%barrier3A)
    %dma_start3A = arith.constant 0 : i32
    %dma_start3A_5 = arith.constant 0 : i32
    %dma_start3A_6 = arith.constant 0 : i32
    %dma_start3A_7 = tpu.memref_slice %arg9[%dma_start3A, %dma_start3A_5, %dma_start3A_6] : memref<2x80x128xf32, #tpu.memory_space<vmem>> -> memref<1x80x128xf32, #tpu.memory_space<vmem>>
    %dma_start3A_8 = tpu.memref_squeeze %dma_start3A_7 : memref<1x80x128xf32, #tpu.memory_space<vmem>> -> memref<80x128xf32, #tpu.memory_space<vmem>>
    %dma_start3A_9 = arith.constant 0 : i32
    %dma_start3A_10 = tpu.memref_slice %arg7[%dma_start3A_9] : memref<10000xi32, #tpu.memory_space<vmem>> -> memref<80xi32, #tpu.memory_space<vmem>>
    %dma_start3A_11 = arith.constant 0 : i32
    %dma_start3A_12 = arith.constant 0 : i32
    %dma_start3A_13 = tpu.memref_slice %arg2[%dma_start3A_11, %dma_start3A_12] : memref<10000x128xf32, #tpu.memory_space<hbm>> -> memref<10000x128xf32, #tpu.memory_space<hbm>>
    tpu.enqueue_indirect_dma source(%dma_start3A_13 : memref<10000x128xf32, #tpu.memory_space<hbm>>) target(%dma_start3A_8 : memref<80x128xf32, #tpu.memory_space<vmem>>) offsets(%dma_start3A_10 : memref<80xi32, #tpu.memory_space<vmem>>) semaphore(%arg11 : memref<!tpu.dma_semaphore, #tpu.memory_space<semaphore_mem>>)
    %scan3A = arith.constant 0 : i32
    %scan3A_14 = arith.constant 0 : i32
    %scan3A_15 = arith.constant 62 : i32
    %scan3A_16 = arith.addi %scan3A_14, %scan3A_15 : i32
    %scan3A_17 = arith.constant 1 : i32
    scf.for %scan3A_35 = %scan3A_14 to %scan3A_16 step %scan3A_17  : i32 {
      %mul3A_36 = arith.constant 2 : i32
      %mul3A_37 = arith.muli %mul3A_36, %scan3A_35 : i32
      %add3A_38 = arith.constant 0 : i32
      %add3A_39 = arith.addi %mul3A_37, %add3A_38 : i32
      %dma_wait3A_40 = arith.constant 0 : i32
      %dma_wait3A_41 = arith.constant 0 : i32
      %dma_wait3A_42 = arith.constant 0 : i32
      %dma_wait3A_43 = tpu.memref_slice %arg9[%dma_wait3A_40, %dma_wait3A_41, %dma_wait3A_42] : memref<2x80x128xf32, #tpu.memory_space<vmem>> -> memref<1x80x128xf32, #tpu.memory_space<vmem>>
      %dma_wait3A_44 = tpu.memref_squeeze %dma_wait3A_43 : memref<1x80x128xf32, #tpu.memory_space<vmem>> -> memref<80x128xf32, #tpu.memory_space<vmem>>
      %dma_wait3A_45 = arith.constant 0 : i32
      %dma_wait3A_46 = arith.constant 0 : i32
      %dma_wait3A_47 = tpu.memref_slice %arg2[%dma_wait3A_45, %dma_wait3A_46] : memref<10000x128xf32, #tpu.memory_space<hbm>> -> memref<80x128xf32, #tpu.memory_space<hbm>>
      %dma_wait3A_48 = arith.constant 0 : i32
      %dma_wait3A_49 = arith.constant 0 : i32
      %dma_wait3A_50 = tpu.memref_slice %arg9[%dma_wait3A_40, %dma_wait3A_48, %dma_wait3A_49] : memref<2x80x128xf32, #tpu.memory_space<vmem>> -> memref<1x80x128xf32, #tpu.memory_space<vmem>>
      %dma_wait3A_51 = tpu.memref_squeeze %dma_wait3A_50 : memref<1x80x128xf32, #tpu.memory_space<vmem>> -> memref<80x128xf32, #tpu.memory_space<vmem>>
      %dma_wait3A_52 = arith.constant 0 : i32
      %dma_wait3A_53 = arith.constant 0 : i32
      %dma_wait3A_54 = tpu.memref_slice %arg2[%dma_wait3A_52, %dma_wait3A_53] : memref<10000x128xf32, #tpu.memory_space<hbm>> -> memref<80x128xf32, #tpu.memory_space<hbm>>
      tpu.wait_dma2 semaphore(%arg11 : memref<!tpu.dma_semaphore, #tpu.memory_space<semaphore_mem>>) src(%dma_wait3A_54 : memref<80x128xf32, #tpu.memory_space<hbm>>) dst(%dma_wait3A_51 : memref<80x128xf32, #tpu.memory_space<vmem>>)
      %lt3A = arith.constant 124 : i32
      %lt3A_55 = arith.cmpi slt, %add3A_39, %lt3A : i32
      %convert_element_type3A = arith.extui %lt3A_55 : i1 to i32
      %cond3A = arith.constant 0 : i32
      %cond3A_56 = arith.cmpi ne, %convert_element_type3A, %cond3A : i32
      scf.if %cond3A_56 {
        %add3A_83 = arith.constant 1 : i32
        %add3A_84 = arith.addi %add3A_39, %add3A_83 : i32
        %mul3A_85 = arith.constant 80 : i32
        %mul3A_86 = arith.muli %add3A_84, %mul3A_85 : i32
        %dma_start3A_87 = arith.constant 1 : i32
        %dma_start3A_88 = arith.constant 0 : i32
        %dma_start3A_89 = arith.constant 0 : i32
        %dma_start3A_90 = tpu.memref_slice %arg9[%dma_start3A_87, %dma_start3A_88, %dma_start3A_89] : memref<2x80x128xf32, #tpu.memory_space<vmem>> -> memref<1x80x128xf32, #tpu.memory_space<vmem>>
        %dma_start3A_91 = tpu.memref_squeeze %dma_start3A_90 : memref<1x80x128xf32, #tpu.memory_space<vmem>> -> memref<80x128xf32, #tpu.memory_space<vmem>>
        %dma_start3A_92 = tpu.memref_slice %arg7[%mul3A_86] : memref<10000xi32, #tpu.memory_space<vmem>> -> memref<80xi32, #tpu.memory_space<vmem>>
        %dma_start3A_93 = arith.constant 0 : i32
        %dma_start3A_94 = arith.constant 0 : i32
        %dma_start3A_95 = tpu.memref_slice %arg2[%dma_start3A_93, %dma_start3A_94] : memref<10000x128xf32, #tpu.memory_space<hbm>> -> memref<10000x128xf32, #tpu.memory_space<hbm>>
        tpu.enqueue_indirect_dma source(%dma_start3A_95 : memref<10000x128xf32, #tpu.memory_space<hbm>>) target(%dma_start3A_91 : memref<80x128xf32, #tpu.memory_space<vmem>>) offsets(%dma_start3A_92 : memref<80xi32, #tpu.memory_space<vmem>>) semaphore(%arg11 : memref<!tpu.dma_semaphore, #tpu.memory_space<semaphore_mem>>)
      } else {
      }
      %run_scoped3A_57 = arith.constant 0 : i32
      "tpu.region"() ({
        %run_scoped3A_83 = tpu.sem_alloc : memref<!tpu.dma_semaphore, #tpu.memory_space<semaphore_mem>>
        %dma_start3A_84 = arith.constant 0 : i32
        %dma_start3A_85 = arith.constant 0 : i32
        %dma_start3A_86 = tpu.memref_slice %arg9[%run_scoped3A_57, %dma_start3A_84, %dma_start3A_85] : memref<2x80x128xf32, #tpu.memory_space<vmem>> -> memref<1x80x128xf32, #tpu.memory_space<vmem>>
        %dma_start3A_87 = tpu.memref_squeeze %dma_start3A_86 : memref<1x80x128xf32, #tpu.memory_space<vmem>> -> memref<80x128xf32, #tpu.memory_space<vmem>>
        %dma_start3A_88 = arith.constant 0 : i32
        %dma_start3A_89 = tpu.memref_slice %arg8[%add3A_39, %dma_start3A_88] : memref<125x80xi32, #tpu.memory_space<vmem>> -> memref<1x80xi32, #tpu.memory_space<vmem>>
        %dma_start3A_90 = tpu.memref_squeeze %dma_start3A_89 : memref<1x80xi32, #tpu.memory_space<vmem>> -> memref<80xi32, #tpu.memory_space<vmem>>
        %dma_start3A_91 = arith.constant 0 : i32
        %dma_start3A_92 = arith.constant 0 : i32
        %dma_start3A_93 = tpu.memref_slice %arg10[%dma_start3A_91, %dma_start3A_92] : memref<10240x128xf32, #tpu.memory_space<vmem_shared>> -> memref<10240x128xf32, #tpu.memory_space<vmem_shared>>
        tpu.enqueue_indirect_dma source(%dma_start3A_87 : memref<80x128xf32, #tpu.memory_space<vmem>>) target(%dma_start3A_93 : memref<10240x128xf32, #tpu.memory_space<vmem_shared>>) offsets(%dma_start3A_90 : memref<80xi32, #tpu.memory_space<vmem>>) semaphore(%run_scoped3A_83 : memref<!tpu.dma_semaphore, #tpu.memory_space<semaphore_mem>>) {add = true}
        %dma_wait3A_94 = arith.constant 0 : i32
        %dma_wait3A_95 = arith.constant 0 : i32
        %dma_wait3A_96 = tpu.memref_slice %arg9[%run_scoped3A_57, %dma_wait3A_94, %dma_wait3A_95] : memref<2x80x128xf32, #tpu.memory_space<vmem>> -> memref<1x80x128xf32, #tpu.memory_space<vmem>>
        %dma_wait3A_97 = tpu.memref_squeeze %dma_wait3A_96 : memref<1x80x128xf32, #tpu.memory_space<vmem>> -> memref<80x128xf32, #tpu.memory_space<vmem>>
        %dma_wait3A_98 = arith.constant 0 : i32
        %dma_wait3A_99 = tpu.memref_slice %arg8[%add3A_39, %dma_wait3A_98] : memref<125x80xi32, #tpu.memory_space<vmem>> -> memref<1x80xi32, #tpu.memory_space<vmem>>
        %dma_wait3A_100 = tpu.memref_squeeze %dma_wait3A_99 : memref<1x80xi32, #tpu.memory_space<vmem>> -> memref<80xi32, #tpu.memory_space<vmem>>
        %dma_wait3A_101 = arith.constant 0 : i32
        %dma_wait3A_102 = arith.constant 0 : i32
        %dma_wait3A_103 = tpu.memref_slice %arg10[%dma_wait3A_101, %dma_wait3A_102] : memref<10240x128xf32, #tpu.memory_space<vmem_shared>> -> memref<10240x128xf32, #tpu.memory_space<vmem_shared>>
        tpu.wait_indirect_dma semaphore(%run_scoped3A_83 : memref<!tpu.dma_semaphore, #tpu.memory_space<semaphore_mem>>) src(%dma_wait3A_97 : memref<80x128xf32, #tpu.memory_space<vmem>>) dst(%dma_wait3A_103 : memref<10240x128xf32, #tpu.memory_space<vmem_shared>>)
        tpu.yield
      }) : () -> ()
      %mul3A_58 = arith.constant 2 : i32
      %mul3A_59 = arith.muli %mul3A_58, %scan3A_35 : i32
      %add3A_60 = arith.constant 1 : i32
      %add3A_61 = arith.addi %mul3A_59, %add3A_60 : i32
      %dma_wait3A_62 = arith.constant 1 : i32
      %dma_wait3A_63 = arith.constant 0 : i32
      %dma_wait3A_64 = arith.constant 0 : i32
      %dma_wait3A_65 = tpu.memref_slice %arg9[%dma_wait3A_62, %dma_wait3A_63, %dma_wait3A_64] : memref<2x80x128xf32, #tpu.memory_space<vmem>> -> memref<1x80x128xf32, #tpu.memory_space<vmem>>
      %dma_wait3A_66 = tpu.memref_squeeze %dma_wait3A_65 : memref<1x80x128xf32, #tpu.memory_space<vmem>> -> memref<80x128xf32, #tpu.memory_space<vmem>>
      %dma_wait3A_67 = arith.constant 0 : i32
      %dma_wait3A_68 = arith.constant 0 : i32
      %dma_wait3A_69 = tpu.memref_slice %arg2[%dma_wait3A_67, %dma_wait3A_68] : memref<10000x128xf32, #tpu.memory_space<hbm>> -> memref<80x128xf32, #tpu.memory_space<hbm>>
      %dma_wait3A_70 = arith.constant 0 : i32
      %dma_wait3A_71 = arith.constant 0 : i32
      %dma_wait3A_72 = tpu.memref_slice %arg9[%dma_wait3A_62, %dma_wait3A_70, %dma_wait3A_71] : memref<2x80x128xf32, #tpu.memory_space<vmem>> -> memref<1x80x128xf32, #tpu.memory_space<vmem>>
      %dma_wait3A_73 = tpu.memref_squeeze %dma_wait3A_72 : memref<1x80x128xf32, #tpu.memory_space<vmem>> -> memref<80x128xf32, #tpu.memory_space<vmem>>
      %dma_wait3A_74 = arith.constant 0 : i32
      %dma_wait3A_75 = arith.constant 0 : i32
      %dma_wait3A_76 = tpu.memref_slice %arg2[%dma_wait3A_74, %dma_wait3A_75] : memref<10000x128xf32, #tpu.memory_space<hbm>> -> memref<80x128xf32, #tpu.memory_space<hbm>>
      tpu.wait_dma2 semaphore(%arg11 : memref<!tpu.dma_semaphore, #tpu.memory_space<semaphore_mem>>) src(%dma_wait3A_76 : memref<80x128xf32, #tpu.memory_space<hbm>>) dst(%dma_wait3A_73 : memref<80x128xf32, #tpu.memory_space<vmem>>)
      %lt3A_77 = arith.constant 124 : i32
      %lt3A_78 = arith.cmpi slt, %add3A_61, %lt3A_77 : i32
      %convert_element_type3A_79 = arith.extui %lt3A_78 : i1 to i32
      %cond3A_80 = arith.constant 0 : i32
      %cond3A_81 = arith.cmpi ne, %convert_element_type3A_79, %cond3A_80 : i32
      scf.if %cond3A_81 {
        %add3A_83 = arith.constant 1 : i32
        %add3A_84 = arith.addi %add3A_61, %add3A_83 : i32
        %mul3A_85 = arith.constant 80 : i32
        %mul3A_86 = arith.muli %add3A_84, %mul3A_85 : i32
        %dma_start3A_87 = arith.constant 0 : i32
        %dma_start3A_88 = arith.constant 0 : i32
        %dma_start3A_89 = arith.constant 0 : i32
        %dma_start3A_90 = tpu.memref_slice %arg9[%dma_start3A_87, %dma_start3A_88, %dma_start3A_89] : memref<2x80x128xf32, #tpu.memory_space<vmem>> -> memref<1x80x128xf32, #tpu.memory_space<vmem>>
        %dma_start3A_91 = tpu.memref_squeeze %dma_start3A_90 : memref<1x80x128xf32, #tpu.memory_space<vmem>> -> memref<80x128xf32, #tpu.memory_space<vmem>>
        %dma_start3A_92 = tpu.memref_slice %arg7[%mul3A_86] : memref<10000xi32, #tpu.memory_space<vmem>> -> memref<80xi32, #tpu.memory_space<vmem>>
        %dma_start3A_93 = arith.constant 0 : i32
        %dma_start3A_94 = arith.constant 0 : i32
        %dma_start3A_95 = tpu.memref_slice %arg2[%dma_start3A_93, %dma_start3A_94] : memref<10000x128xf32, #tpu.memory_space<hbm>> -> memref<10000x128xf32, #tpu.memory_space<hbm>>
        tpu.enqueue_indirect_dma source(%dma_start3A_95 : memref<10000x128xf32, #tpu.memory_space<hbm>>) target(%dma_start3A_91 : memref<80x128xf32, #tpu.memory_space<vmem>>) offsets(%dma_start3A_92 : memref<80xi32, #tpu.memory_space<vmem>>) semaphore(%arg11 : memref<!tpu.dma_semaphore, #tpu.memory_space<semaphore_mem>>)
      } else {
      }
      %run_scoped3A_82 = arith.constant 1 : i32
      "tpu.region"() ({
        %run_scoped3A_83 = tpu.sem_alloc : memref<!tpu.dma_semaphore, #tpu.memory_space<semaphore_mem>>
        %dma_start3A_84 = arith.constant 0 : i32
        %dma_start3A_85 = arith.constant 0 : i32
        %dma_start3A_86 = tpu.memref_slice %arg9[%run_scoped3A_82, %dma_start3A_84, %dma_start3A_85] : memref<2x80x128xf32, #tpu.memory_space<vmem>> -> memref<1x80x128xf32, #tpu.memory_space<vmem>>
        %dma_start3A_87 = tpu.memref_squeeze %dma_start3A_86 : memref<1x80x128xf32, #tpu.memory_space<vmem>> -> memref<80x128xf32, #tpu.memory_space<vmem>>
        %dma_start3A_88 = arith.constant 0 : i32
        %dma_start3A_89 = tpu.memref_slice %arg8[%add3A_61, %dma_start3A_88] : memref<125x80xi32, #tpu.memory_space<vmem>> -> memref<1x80xi32, #tpu.memory_space<vmem>>
        %dma_start3A_90 = tpu.memref_squeeze %dma_start3A_89 : memref<1x80xi32, #tpu.memory_space<vmem>> -> memref<80xi32, #tpu.memory_space<vmem>>
        %dma_start3A_91 = arith.constant 0 : i32
        %dma_start3A_92 = arith.constant 0 : i32
        %dma_start3A_93 = tpu.memref_slice %arg10[%dma_start3A_91, %dma_start3A_92] : memref<10240x128xf32, #tpu.memory_space<vmem_shared>> -> memref<10240x128xf32, #tpu.memory_space<vmem_shared>>
        tpu.enqueue_indirect_dma source(%dma_start3A_87 : memref<80x128xf32, #tpu.memory_space<vmem>>) target(%dma_start3A_93 : memref<10240x128xf32, #tpu.memory_space<vmem_shared>>) offsets(%dma_start3A_90 : memref<80xi32, #tpu.memory_space<vmem>>) semaphore(%run_scoped3A_83 : memref<!tpu.dma_semaphore, #tpu.memory_space<semaphore_mem>>) {add = true}
        %dma_wait3A_94 = arith.constant 0 : i32
        %dma_wait3A_95 = arith.constant 0 : i32
        %dma_wait3A_96 = tpu.memref_slice %arg9[%run_scoped3A_82, %dma_wait3A_94, %dma_wait3A_95] : memref<2x80x128xf32, #tpu.memory_space<vmem>> -> memref<1x80x128xf32, #tpu.memory_space<vmem>>
        %dma_wait3A_97 = tpu.memref_squeeze %dma_wait3A_96 : memref<1x80x128xf32, #tpu.memory_space<vmem>> -> memref<80x128xf32, #tpu.memory_space<vmem>>
        %dma_wait3A_98 = arith.constant 0 : i32
        %dma_wait3A_99 = tpu.memref_slice %arg8[%add3A_61, %dma_wait3A_98] : memref<125x80xi32, #tpu.memory_space<vmem>> -> memref<1x80xi32, #tpu.memory_space<vmem>>
        %dma_wait3A_100 = tpu.memref_squeeze %dma_wait3A_99 : memref<1x80xi32, #tpu.memory_space<vmem>> -> memref<80xi32, #tpu.memory_space<vmem>>
        %dma_wait3A_101 = arith.constant 0 : i32
        %dma_wait3A_102 = arith.constant 0 : i32
        %dma_wait3A_103 = tpu.memref_slice %arg10[%dma_wait3A_101, %dma_wait3A_102] : memref<10240x128xf32, #tpu.memory_space<vmem_shared>> -> memref<10240x128xf32, #tpu.memory_space<vmem_shared>>
        tpu.wait_indirect_dma semaphore(%run_scoped3A_83 : memref<!tpu.dma_semaphore, #tpu.memory_space<semaphore_mem>>) src(%dma_wait3A_97 : memref<80x128xf32, #tpu.memory_space<vmem>>) dst(%dma_wait3A_103 : memref<10240x128xf32, #tpu.memory_space<vmem_shared>>)
        tpu.yield
      }) : () -> ()
    }
    %scan3A_18 = arith.constant 62 : i32
    %dma_wait3A = arith.constant 0 : i32
    %dma_wait3A_19 = arith.constant 0 : i32
    %dma_wait3A_20 = arith.constant 0 : i32
    %dma_wait3A_21 = tpu.memref_slice %arg9[%dma_wait3A, %dma_wait3A_19, %dma_wait3A_20] : memref<2x80x128xf32, #tpu.memory_space<vmem>> -> memref<1x80x128xf32, #tpu.memory_space<vmem>>
    %dma_wait3A_22 = tpu.memref_squeeze %dma_wait3A_21 : memref<1x80x128xf32, #tpu.memory_space<vmem>> -> memref<80x128xf32, #tpu.memory_space<vmem>>
    %dma_wait3A_23 = arith.constant 0 : i32
    %dma_wait3A_24 = arith.constant 0 : i32
    %dma_wait3A_25 = tpu.memref_slice %arg2[%dma_wait3A_23, %dma_wait3A_24] : memref<10000x128xf32, #tpu.memory_space<hbm>> -> memref<80x128xf32, #tpu.memory_space<hbm>>
    %dma_wait3A_26 = arith.constant 0 : i32
    %dma_wait3A_27 = arith.constant 0 : i32
    %dma_wait3A_28 = tpu.memref_slice %arg9[%dma_wait3A, %dma_wait3A_26, %dma_wait3A_27] : memref<2x80x128xf32, #tpu.memory_space<vmem>> -> memref<1x80x128xf32, #tpu.memory_space<vmem>>
    %dma_wait3A_29 = tpu.memref_squeeze %dma_wait3A_28 : memref<1x80x128xf32, #tpu.memory_space<vmem>> -> memref<80x128xf32, #tpu.memory_space<vmem>>
    %dma_wait3A_30 = arith.constant 0 : i32
    %dma_wait3A_31 = arith.constant 0 : i32
    %dma_wait3A_32 = tpu.memref_slice %arg2[%dma_wait3A_30, %dma_wait3A_31] : memref<10000x128xf32, #tpu.memory_space<hbm>> -> memref<80x128xf32, #tpu.memory_space<hbm>>
    tpu.wait_dma2 semaphore(%arg11 : memref<!tpu.dma_semaphore, #tpu.memory_space<semaphore_mem>>) src(%dma_wait3A_32 : memref<80x128xf32, #tpu.memory_space<hbm>>) dst(%dma_wait3A_29 : memref<80x128xf32, #tpu.memory_space<vmem>>)
    %run_scoped3A = arith.constant 0 : i32
    %run_scoped3A_33 = arith.constant 124 : i32
    "tpu.region"() ({
      %run_scoped3A_35 = tpu.sem_alloc : memref<!tpu.dma_semaphore, #tpu.memory_space<semaphore_mem>>
      %dma_start3A_36 = arith.constant 0 : i32
      %dma_start3A_37 = arith.constant 0 : i32
      %dma_start3A_38 = tpu.memref_slice %arg9[%run_scoped3A, %dma_start3A_36, %dma_start3A_37] : memref<2x80x128xf32, #tpu.memory_space<vmem>> -> memref<1x80x128xf32, #tpu.memory_space<vmem>>
      %dma_start3A_39 = tpu.memref_squeeze %dma_start3A_38 : memref<1x80x128xf32, #tpu.memory_space<vmem>> -> memref<80x128xf32, #tpu.memory_space<vmem>>
      %dma_start3A_40 = arith.constant 0 : i32
      %dma_start3A_41 = tpu.memref_slice %arg8[%run_scoped3A_33, %dma_start3A_40] : memref<125x80xi32, #tpu.memory_space<vmem>> -> memref<1x80xi32, #tpu.memory_space<vmem>>
      %dma_start3A_42 = tpu.memref_squeeze %dma_start3A_41 : memref<1x80xi32, #tpu.memory_space<vmem>> -> memref<80xi32, #tpu.memory_space<vmem>>
      %dma_start3A_43 = arith.constant 0 : i32
      %dma_start3A_44 = arith.constant 0 : i32
      %dma_start3A_45 = tpu.memref_slice %arg10[%dma_start3A_43, %dma_start3A_44] : memref<10240x128xf32, #tpu.memory_space<vmem_shared>> -> memref<10240x128xf32, #tpu.memory_space<vmem_shared>>
      tpu.enqueue_indirect_dma source(%dma_start3A_39 : memref<80x128xf32, #tpu.memory_space<vmem>>) target(%dma_start3A_45 : memref<10240x128xf32, #tpu.memory_space<vmem_shared>>) offsets(%dma_start3A_42 : memref<80xi32, #tpu.memory_space<vmem>>) semaphore(%run_scoped3A_35 : memref<!tpu.dma_semaphore, #tpu.memory_space<semaphore_mem>>) {add = true}
      %dma_wait3A_46 = arith.constant 0 : i32
      %dma_wait3A_47 = arith.constant 0 : i32
      %dma_wait3A_48 = tpu.memref_slice %arg9[%run_scoped3A, %dma_wait3A_46, %dma_wait3A_47] : memref<2x80x128xf32, #tpu.memory_space<vmem>> -> memref<1x80x128xf32, #tpu.memory_space<vmem>>
      %dma_wait3A_49 = tpu.memref_squeeze %dma_wait3A_48 : memref<1x80x128xf32, #tpu.memory_space<vmem>> -> memref<80x128xf32, #tpu.memory_space<vmem>>
      %dma_wait3A_50 = arith.constant 0 : i32
      %dma_wait3A_51 = tpu.memref_slice %arg8[%run_scoped3A_33, %dma_wait3A_50] : memref<125x80xi32, #tpu.memory_space<vmem>> -> memref<1x80xi32, #tpu.memory_space<vmem>>
      %dma_wait3A_52 = tpu.memref_squeeze %dma_wait3A_51 : memref<1x80xi32, #tpu.memory_space<vmem>> -> memref<80xi32, #tpu.memory_space<vmem>>
      %dma_wait3A_53 = arith.constant 0 : i32
      %dma_wait3A_54 = arith.constant 0 : i32
      %dma_wait3A_55 = tpu.memref_slice %arg10[%dma_wait3A_53, %dma_wait3A_54] : memref<10240x128xf32, #tpu.memory_space<vmem_shared>> -> memref<10240x128xf32, #tpu.memory_space<vmem_shared>>
      tpu.wait_indirect_dma semaphore(%run_scoped3A_35 : memref<!tpu.dma_semaphore, #tpu.memory_space<semaphore_mem>>) src(%dma_wait3A_49 : memref<80x128xf32, #tpu.memory_space<vmem>>) dst(%dma_wait3A_55 : memref<10240x128xf32, #tpu.memory_space<vmem_shared>>)
      tpu.yield
    }) : () -> ()
    %barrier3A_34 = arith.constant 0 : index
    tpu.barrier barrier_id(%barrier3A_34)
    "tpu.region"() ({
      %run_scoped3A_35 = tpu.sem_alloc : memref<!tpu.dma_semaphore, #tpu.memory_space<semaphore_mem>>
      %dma_start3A_36 = arith.constant 0 : i32
      %dma_start3A_37 = tpu.memref_slice %arg6[%arg0, %mul3A_2, %dma_start3A_36] : memref<2x10240x128xf32, #tpu.memory_space<hbm>> -> memref<1x640x128xf32, #tpu.memory_space<hbm>>
      %dma_start3A_38 = tpu.memref_squeeze %dma_start3A_37 : memref<1x640x128xf32, #tpu.memory_space<hbm>> -> memref<640x128xf32, #tpu.memory_space<hbm>>
      %dma_start3A_39 = arith.constant 0 : i32
      %dma_start3A_40 = tpu.memref_slice %arg10[%mul3A_2, %dma_start3A_39] : memref<10240x128xf32, #tpu.memory_space<vmem_shared>> -> memref<640x128xf32, #tpu.memory_space<vmem_shared>>
      tpu.enqueue_dma source(%dma_start3A_40 : memref<640x128xf32, #tpu.memory_space<vmem_shared>>) target(%dma_start3A_38 : memref<640x128xf32, #tpu.memory_space<hbm>>) target_semaphore(%run_scoped3A_35 : memref<!tpu.dma_semaphore, #tpu.memory_space<semaphore_mem>>)
      %dma_wait3A_41 = arith.constant 0 : i32
      %dma_wait3A_42 = tpu.memref_slice %arg6[%arg0, %mul3A_2, %dma_wait3A_41] : memref<2x10240x128xf32, #tpu.memory_space<hbm>> -> memref<1x640x128xf32, #tpu.memory_space<hbm>>
      %dma_wait3A_43 = tpu.memref_squeeze %dma_wait3A_42 : memref<1x640x128xf32, #tpu.memory_space<hbm>> -> memref<640x128xf32, #tpu.memory_space<hbm>>
      %dma_wait3A_44 = arith.constant 0 : i32
      %dma_wait3A_45 = tpu.memref_slice %arg10[%mul3A_2, %dma_wait3A_44] : memref<10240x128xf32, #tpu.memory_space<vmem_shared>> -> memref<640x128xf32, #tpu.memory_space<vmem_shared>>
      tpu.wait_dma2 semaphore(%run_scoped3A_35 : memref<!tpu.dma_semaphore, #tpu.memory_space<semaphore_mem>>) src(%dma_wait3A_45 : memref<640x128xf32, #tpu.memory_space<vmem_shared>>) dst(%dma_wait3A_43 : memref<640x128xf32, #tpu.memory_space<hbm>>)
      tpu.yield
    }) : () -> ()
    return
  }
}

#map = affine_map<(d0, d1) -> (0, 0)>
#map1 = affine_map<(d0, d1) -> (0)>
#map2 = affine_map<(d0, d1) -> (0, 0, 0)>
module attributes {stable_mosaic.version = 14 : i64} {
  func.func @sc_seg_agg(%arg0: i32, %arg1: i32, %arg2: memref<10000x128xf32, #tpu.memory_space<hbm>>, %arg3: memref<320000xi32, #tpu.memory_space<hbm>>, %arg4: memref<32x125x80xi32, #tpu.memory_space<hbm>>, %arg5: memref<640x128xf32, #tpu.memory_space<hbm>>, %arg6: memref<2x10240x128xf32, #tpu.memory_space<hbm>>, %arg7: memref<10000xi32, #tpu.memory_space<vmem>>, %arg8: memref<125x80xi32, #tpu.memory_space<vmem>>, %arg9: memref<2x80x128xf32, #tpu.memory_space<vmem>>, %arg10: memref<10240x128xf32, #tpu.memory_space<vmem_shared>>, %arg11: memref<!tpu.dma_semaphore, #tpu.memory_space<semaphore_mem>>) attributes {dimension_semantics = [#tpu.dimension_semantics<core_parallel>, #tpu.dimension_semantics<subcore_parallel>], iteration_bounds = array<i64: 2, 16>, scalar_prefetch = 0 : i64, scratch_operands = 5 : i64, tpu.core_type = #tpu.core_type<sc_vector_subcore>, window_params = [{transform_indices = #map}, {transform_indices = #map1}, {transform_indices = #map2}, {transform_indices = #map}, {transform_indices = #map2}]} {
    %mul3A = arith.constant 16 : i32
    %mul3A_0 = arith.muli %arg0, %mul3A : i32
    %add3A = arith.addi %mul3A_0, %arg1 : i32
    %mul3A_1 = arith.constant 640 : i32
    %mul3A_2 = arith.muli %arg1, %mul3A_1 : i32
    "tpu.region"() ({
      %run_scoped3A_35 = tpu.sem_alloc : memref<!tpu.dma_semaphore, #tpu.memory_space<semaphore_mem>>
      %dma_start3A_36 = arith.constant 0 : i32
      %dma_start3A_37 = tpu.memref_slice %arg10[%mul3A_2, %dma_start3A_36] : memref<10240x128xf32, #tpu.memory_space<vmem_shared>> -> memref<640x128xf32, #tpu.memory_space<vmem_shared>>
      tpu.enqueue_dma source(%arg5 : memref<640x128xf32, #tpu.memory_space<hbm>>) target(%dma_start3A_37 : memref<640x128xf32, #tpu.memory_space<vmem_shared>>) target_semaphore(%run_scoped3A_35 : memref<!tpu.dma_semaphore, #tpu.memory_space<semaphore_mem>>)
      %dma_wait3A_38 = arith.constant 0 : i32
      %dma_wait3A_39 = tpu.memref_slice %arg10[%mul3A_2, %dma_wait3A_38] : memref<10240x128xf32, #tpu.memory_space<vmem_shared>> -> memref<640x128xf32, #tpu.memory_space<vmem_shared>>
      tpu.wait_dma2 semaphore(%run_scoped3A_35 : memref<!tpu.dma_semaphore, #tpu.memory_space<semaphore_mem>>) src(%arg5 : memref<640x128xf32, #tpu.memory_space<hbm>>) dst(%dma_wait3A_39 : memref<640x128xf32, #tpu.memory_space<vmem_shared>>)
      tpu.yield
    }) : () -> ()
    %mul3A_3 = arith.constant 10000 : i32
    %mul3A_4 = arith.muli %add3A, %mul3A_3 : i32
    "tpu.region"() ({
      %run_scoped3A_35 = tpu.sem_alloc : memref<!tpu.dma_semaphore, #tpu.memory_space<semaphore_mem>>
      %dma_start3A_36 = tpu.memref_slice %arg3[%mul3A_4] : memref<320000xi32, #tpu.memory_space<hbm>> -> memref<10000xi32, #tpu.memory_space<hbm>>
      %dma_start3A_37 = tpu.memref_slice %arg3[%mul3A_4] : memref<320000xi32, #tpu.memory_space<hbm>> -> memref<10000xi32, #tpu.memory_space<hbm>>
      tpu.enqueue_dma source(%dma_start3A_37 : memref<10000xi32, #tpu.memory_space<hbm>>) target(%arg7 : memref<10000xi32, #tpu.memory_space<vmem>>) target_semaphore(%run_scoped3A_35 : memref<!tpu.dma_semaphore, #tpu.memory_space<semaphore_mem>>)
      %dma_wait3A_38 = tpu.memref_slice %arg3[%mul3A_4] : memref<320000xi32, #tpu.memory_space<hbm>> -> memref<10000xi32, #tpu.memory_space<hbm>>
      %dma_wait3A_39 = tpu.memref_slice %arg3[%mul3A_4] : memref<320000xi32, #tpu.memory_space<hbm>> -> memref<10000xi32, #tpu.memory_space<hbm>>
      tpu.wait_dma2 semaphore(%run_scoped3A_35 : memref<!tpu.dma_semaphore, #tpu.memory_space<semaphore_mem>>) src(%dma_wait3A_39 : memref<10000xi32, #tpu.memory_space<hbm>>) dst(%arg7 : memref<10000xi32, #tpu.memory_space<vmem>>)
      tpu.yield
    }) : () -> ()
    "tpu.region"() ({
      %run_scoped3A_35 = tpu.sem_alloc : memref<!tpu.dma_semaphore, #tpu.memory_space<semaphore_mem>>
      %dma_start3A_36 = arith.constant 0 : i32
      %dma_start3A_37 = arith.constant 0 : i32
      %dma_start3A_38 = tpu.memref_slice %arg4[%add3A, %dma_start3A_36, %dma_start3A_37] : memref<32x125x80xi32, #tpu.memory_space<hbm>> -> memref<1x125x80xi32, #tpu.memory_space<hbm>>
      %dma_start3A_39 = tpu.memref_squeeze %dma_start3A_38 : memref<1x125x80xi32, #tpu.memory_space<hbm>> -> memref<125x80xi32, #tpu.memory_space<hbm>>
      %dma_start3A_40 = arith.constant 0 : i32
      %dma_start3A_41 = arith.constant 0 : i32
      %dma_start3A_42 = tpu.memref_slice %arg4[%add3A, %dma_start3A_40, %dma_start3A_41] : memref<32x125x80xi32, #tpu.memory_space<hbm>> -> memref<1x125x80xi32, #tpu.memory_space<hbm>>
      %dma_start3A_43 = tpu.memref_squeeze %dma_start3A_42 : memref<1x125x80xi32, #tpu.memory_space<hbm>> -> memref<125x80xi32, #tpu.memory_space<hbm>>
      tpu.enqueue_dma source(%dma_start3A_43 : memref<125x80xi32, #tpu.memory_space<hbm>>) target(%arg8 : memref<125x80xi32, #tpu.memory_space<vmem>>) target_semaphore(%run_scoped3A_35 : memref<!tpu.dma_semaphore, #tpu.memory_space<semaphore_mem>>)
      %dma_wait3A_44 = arith.constant 0 : i32
      %dma_wait3A_45 = arith.constant 0 : i32
      %dma_wait3A_46 = tpu.memref_slice %arg4[%add3A, %dma_wait3A_44, %dma_wait3A_45] : memref<32x125x80xi32, #tpu.memory_space<hbm>> -> memref<1x125x80xi32, #tpu.memory_space<hbm>>
      %dma_wait3A_47 = tpu.memref_squeeze %dma_wait3A_46 : memref<1x125x80xi32, #tpu.memory_space<hbm>> -> memref<125x80xi32, #tpu.memory_space<hbm>>
      %dma_wait3A_48 = arith.constant 0 : i32
      %dma_wait3A_49 = arith.constant 0 : i32
      %dma_wait3A_50 = tpu.memref_slice %arg4[%add3A, %dma_wait3A_48, %dma_wait3A_49] : memref<32x125x80xi32, #tpu.memory_space<hbm>> -> memref<1x125x80xi32, #tpu.memory_space<hbm>>
      %dma_wait3A_51 = tpu.memref_squeeze %dma_wait3A_50 : memref<1x125x80xi32, #tpu.memory_space<hbm>> -> memref<125x80xi32, #tpu.memory_space<hbm>>
      tpu.wait_dma2 semaphore(%run_scoped3A_35 : memref<!tpu.dma_semaphore, #tpu.memory_space<semaphore_mem>>) src(%dma_wait3A_51 : memref<125x80xi32, #tpu.memory_space<hbm>>) dst(%arg8 : memref<125x80xi32, #tpu.memory_space<vmem>>)
      tpu.yield
    }) : () -> ()
    %barrier3A = arith.constant 0 : index
    tpu.barrier barrier_id(%barrier3A)
    %dma_start3A = arith.constant 0 : i32
    %dma_start3A_5 = arith.constant 0 : i32
    %dma_start3A_6 = arith.constant 0 : i32
    %dma_start3A_7 = tpu.memref_slice %arg9[%dma_start3A, %dma_start3A_5, %dma_start3A_6] : memref<2x80x128xf32, #tpu.memory_space<vmem>> -> memref<1x80x128xf32, #tpu.memory_space<vmem>>
    %dma_start3A_8 = tpu.memref_squeeze %dma_start3A_7 : memref<1x80x128xf32, #tpu.memory_space<vmem>> -> memref<80x128xf32, #tpu.memory_space<vmem>>
    %dma_start3A_9 = arith.constant 0 : i32
    %dma_start3A_10 = tpu.memref_slice %arg7[%dma_start3A_9] : memref<10000xi32, #tpu.memory_space<vmem>> -> memref<80xi32, #tpu.memory_space<vmem>>
    %dma_start3A_11 = arith.constant 0 : i32
    %dma_start3A_12 = arith.constant 0 : i32
    %dma_start3A_13 = tpu.memref_slice %arg2[%dma_start3A_11, %dma_start3A_12] : memref<10000x128xf32, #tpu.memory_space<hbm>> -> memref<10000x128xf32, #tpu.memory_space<hbm>>
    tpu.enqueue_indirect_dma source(%dma_start3A_13 : memref<10000x128xf32, #tpu.memory_space<hbm>>) target(%dma_start3A_8 : memref<80x128xf32, #tpu.memory_space<vmem>>) offsets(%dma_start3A_10 : memref<80xi32, #tpu.memory_space<vmem>>) semaphore(%arg11 : memref<!tpu.dma_semaphore, #tpu.memory_space<semaphore_mem>>)
    %scan3A = arith.constant 0 : i32
    %scan3A_14 = arith.constant 0 : i32
    %scan3A_15 = arith.constant 62 : i32
    %scan3A_16 = arith.addi %scan3A_14, %scan3A_15 : i32
    %scan3A_17 = arith.constant 1 : i32
    scf.for %scan3A_35 = %scan3A_14 to %scan3A_16 step %scan3A_17  : i32 {
      %mul3A_36 = arith.constant 2 : i32
      %mul3A_37 = arith.muli %mul3A_36, %scan3A_35 : i32
      %add3A_38 = arith.constant 0 : i32
      %add3A_39 = arith.addi %mul3A_37, %add3A_38 : i32
      %dma_wait3A_40 = arith.constant 0 : i32
      %dma_wait3A_41 = arith.constant 0 : i32
      %dma_wait3A_42 = arith.constant 0 : i32
      %dma_wait3A_43 = tpu.memref_slice %arg9[%dma_wait3A_40, %dma_wait3A_41, %dma_wait3A_42] : memref<2x80x128xf32, #tpu.memory_space<vmem>> -> memref<1x80x128xf32, #tpu.memory_space<vmem>>
      %dma_wait3A_44 = tpu.memref_squeeze %dma_wait3A_43 : memref<1x80x128xf32, #tpu.memory_space<vmem>> -> memref<80x128xf32, #tpu.memory_space<vmem>>
      %dma_wait3A_45 = arith.constant 0 : i32
      %dma_wait3A_46 = arith.constant 0 : i32
      %dma_wait3A_47 = tpu.memref_slice %arg2[%dma_wait3A_45, %dma_wait3A_46] : memref<10000x128xf32, #tpu.memory_space<hbm>> -> memref<80x128xf32, #tpu.memory_space<hbm>>
      %dma_wait3A_48 = arith.constant 0 : i32
      %dma_wait3A_49 = arith.constant 0 : i32
      %dma_wait3A_50 = tpu.memref_slice %arg9[%dma_wait3A_40, %dma_wait3A_48, %dma_wait3A_49] : memref<2x80x128xf32, #tpu.memory_space<vmem>> -> memref<1x80x128xf32, #tpu.memory_space<vmem>>
      %dma_wait3A_51 = tpu.memref_squeeze %dma_wait3A_50 : memref<1x80x128xf32, #tpu.memory_space<vmem>> -> memref<80x128xf32, #tpu.memory_space<vmem>>
      %dma_wait3A_52 = arith.constant 0 : i32
      %dma_wait3A_53 = arith.constant 0 : i32
      %dma_wait3A_54 = tpu.memref_slice %arg2[%dma_wait3A_52, %dma_wait3A_53] : memref<10000x128xf32, #tpu.memory_space<hbm>> -> memref<80x128xf32, #tpu.memory_space<hbm>>
      tpu.wait_dma2 semaphore(%arg11 : memref<!tpu.dma_semaphore, #tpu.memory_space<semaphore_mem>>) src(%dma_wait3A_54 : memref<80x128xf32, #tpu.memory_space<hbm>>) dst(%dma_wait3A_51 : memref<80x128xf32, #tpu.memory_space<vmem>>)
      %lt3A = arith.constant 124 : i32
      %lt3A_55 = arith.cmpi slt, %add3A_39, %lt3A : i32
      %convert_element_type3A = arith.extui %lt3A_55 : i1 to i32
      %cond3A = arith.constant 0 : i32
      %cond3A_56 = arith.cmpi ne, %convert_element_type3A, %cond3A : i32
      scf.if %cond3A_56 {
        %add3A_83 = arith.constant 1 : i32
        %add3A_84 = arith.addi %add3A_39, %add3A_83 : i32
        %mul3A_85 = arith.constant 80 : i32
        %mul3A_86 = arith.muli %add3A_84, %mul3A_85 : i32
        %dma_start3A_87 = arith.constant 1 : i32
        %dma_start3A_88 = arith.constant 0 : i32
        %dma_start3A_89 = arith.constant 0 : i32
        %dma_start3A_90 = tpu.memref_slice %arg9[%dma_start3A_87, %dma_start3A_88, %dma_start3A_89] : memref<2x80x128xf32, #tpu.memory_space<vmem>> -> memref<1x80x128xf32, #tpu.memory_space<vmem>>
        %dma_start3A_91 = tpu.memref_squeeze %dma_start3A_90 : memref<1x80x128xf32, #tpu.memory_space<vmem>> -> memref<80x128xf32, #tpu.memory_space<vmem>>
        %dma_start3A_92 = tpu.memref_slice %arg7[%mul3A_86] : memref<10000xi32, #tpu.memory_space<vmem>> -> memref<80xi32, #tpu.memory_space<vmem>>
        %dma_start3A_93 = arith.constant 0 : i32
        %dma_start3A_94 = arith.constant 0 : i32
        %dma_start3A_95 = tpu.memref_slice %arg2[%dma_start3A_93, %dma_start3A_94] : memref<10000x128xf32, #tpu.memory_space<hbm>> -> memref<10000x128xf32, #tpu.memory_space<hbm>>
        tpu.enqueue_indirect_dma source(%dma_start3A_95 : memref<10000x128xf32, #tpu.memory_space<hbm>>) target(%dma_start3A_91 : memref<80x128xf32, #tpu.memory_space<vmem>>) offsets(%dma_start3A_92 : memref<80xi32, #tpu.memory_space<vmem>>) semaphore(%arg11 : memref<!tpu.dma_semaphore, #tpu.memory_space<semaphore_mem>>)
      } else {
      }
      %run_scoped3A_57 = arith.constant 0 : i32
      "tpu.region"() ({
        %run_scoped3A_83 = tpu.sem_alloc : memref<!tpu.dma_semaphore, #tpu.memory_space<semaphore_mem>>
        %dma_start3A_84 = arith.constant 0 : i32
        %dma_start3A_85 = arith.constant 0 : i32
        %dma_start3A_86 = tpu.memref_slice %arg9[%run_scoped3A_57, %dma_start3A_84, %dma_start3A_85] : memref<2x80x128xf32, #tpu.memory_space<vmem>> -> memref<1x80x128xf32, #tpu.memory_space<vmem>>
        %dma_start3A_87 = tpu.memref_squeeze %dma_start3A_86 : memref<1x80x128xf32, #tpu.memory_space<vmem>> -> memref<80x128xf32, #tpu.memory_space<vmem>>
        %dma_start3A_88 = arith.constant 0 : i32
        %dma_start3A_89 = tpu.memref_slice %arg8[%add3A_39, %dma_start3A_88] : memref<125x80xi32, #tpu.memory_space<vmem>> -> memref<1x80xi32, #tpu.memory_space<vmem>>
        %dma_start3A_90 = tpu.memref_squeeze %dma_start3A_89 : memref<1x80xi32, #tpu.memory_space<vmem>> -> memref<80xi32, #tpu.memory_space<vmem>>
        %dma_start3A_91 = arith.constant 0 : i32
        %dma_start3A_92 = arith.constant 0 : i32
        %dma_start3A_93 = tpu.memref_slice %arg10[%dma_start3A_91, %dma_start3A_92] : memref<10240x128xf32, #tpu.memory_space<vmem_shared>> -> memref<10240x128xf32, #tpu.memory_space<vmem_shared>>
        tpu.enqueue_indirect_dma source(%dma_start3A_87 : memref<80x128xf32, #tpu.memory_space<vmem>>) target(%dma_start3A_93 : memref<10240x128xf32, #tpu.memory_space<vmem_shared>>) offsets(%dma_start3A_90 : memref<80xi32, #tpu.memory_space<vmem>>) semaphore(%run_scoped3A_83 : memref<!tpu.dma_semaphore, #tpu.memory_space<semaphore_mem>>) {add = true}
        %dma_wait3A_94 = arith.constant 0 : i32
        %dma_wait3A_95 = arith.constant 0 : i32
        %dma_wait3A_96 = tpu.memref_slice %arg9[%run_scoped3A_57, %dma_wait3A_94, %dma_wait3A_95] : memref<2x80x128xf32, #tpu.memory_space<vmem>> -> memref<1x80x128xf32, #tpu.memory_space<vmem>>
        %dma_wait3A_97 = tpu.memref_squeeze %dma_wait3A_96 : memref<1x80x128xf32, #tpu.memory_space<vmem>> -> memref<80x128xf32, #tpu.memory_space<vmem>>
        %dma_wait3A_98 = arith.constant 0 : i32
        %dma_wait3A_99 = tpu.memref_slice %arg8[%add3A_39, %dma_wait3A_98] : memref<125x80xi32, #tpu.memory_space<vmem>> -> memref<1x80xi32, #tpu.memory_space<vmem>>
        %dma_wait3A_100 = tpu.memref_squeeze %dma_wait3A_99 : memref<1x80xi32, #tpu.memory_space<vmem>> -> memref<80xi32, #tpu.memory_space<vmem>>
        %dma_wait3A_101 = arith.constant 0 : i32
        %dma_wait3A_102 = arith.constant 0 : i32
        %dma_wait3A_103 = tpu.memref_slice %arg10[%dma_wait3A_101, %dma_wait3A_102] : memref<10240x128xf32, #tpu.memory_space<vmem_shared>> -> memref<10240x128xf32, #tpu.memory_space<vmem_shared>>
        tpu.wait_indirect_dma semaphore(%run_scoped3A_83 : memref<!tpu.dma_semaphore, #tpu.memory_space<semaphore_mem>>) src(%dma_wait3A_97 : memref<80x128xf32, #tpu.memory_space<vmem>>) dst(%dma_wait3A_103 : memref<10240x128xf32, #tpu.memory_space<vmem_shared>>)
        tpu.yield
      }) : () -> ()
      %mul3A_58 = arith.constant 2 : i32
      %mul3A_59 = arith.muli %mul3A_58, %scan3A_35 : i32
      %add3A_60 = arith.constant 1 : i32
      %add3A_61 = arith.addi %mul3A_59, %add3A_60 : i32
      %dma_wait3A_62 = arith.constant 1 : i32
      %dma_wait3A_63 = arith.constant 0 : i32
      %dma_wait3A_64 = arith.constant 0 : i32
      %dma_wait3A_65 = tpu.memref_slice %arg9[%dma_wait3A_62, %dma_wait3A_63, %dma_wait3A_64] : memref<2x80x128xf32, #tpu.memory_space<vmem>> -> memref<1x80x128xf32, #tpu.memory_space<vmem>>
      %dma_wait3A_66 = tpu.memref_squeeze %dma_wait3A_65 : memref<1x80x128xf32, #tpu.memory_space<vmem>> -> memref<80x128xf32, #tpu.memory_space<vmem>>
      %dma_wait3A_67 = arith.constant 0 : i32
      %dma_wait3A_68 = arith.constant 0 : i32
      %dma_wait3A_69 = tpu.memref_slice %arg2[%dma_wait3A_67, %dma_wait3A_68] : memref<10000x128xf32, #tpu.memory_space<hbm>> -> memref<80x128xf32, #tpu.memory_space<hbm>>
      %dma_wait3A_70 = arith.constant 0 : i32
      %dma_wait3A_71 = arith.constant 0 : i32
      %dma_wait3A_72 = tpu.memref_slice %arg9[%dma_wait3A_62, %dma_wait3A_70, %dma_wait3A_71] : memref<2x80x128xf32, #tpu.memory_space<vmem>> -> memref<1x80x128xf32, #tpu.memory_space<vmem>>
      %dma_wait3A_73 = tpu.memref_squeeze %dma_wait3A_72 : memref<1x80x128xf32, #tpu.memory_space<vmem>> -> memref<80x128xf32, #tpu.memory_space<vmem>>
      %dma_wait3A_74 = arith.constant 0 : i32
      %dma_wait3A_75 = arith.constant 0 : i32
      %dma_wait3A_76 = tpu.memref_slice %arg2[%dma_wait3A_74, %dma_wait3A_75] : memref<10000x128xf32, #tpu.memory_space<hbm>> -> memref<80x128xf32, #tpu.memory_space<hbm>>
      tpu.wait_dma2 semaphore(%arg11 : memref<!tpu.dma_semaphore, #tpu.memory_space<semaphore_mem>>) src(%dma_wait3A_76 : memref<80x128xf32, #tpu.memory_space<hbm>>) dst(%dma_wait3A_73 : memref<80x128xf32, #tpu.memory_space<vmem>>)
      %lt3A_77 = arith.constant 124 : i32
      %lt3A_78 = arith.cmpi slt, %add3A_61, %lt3A_77 : i32
      %convert_element_type3A_79 = arith.extui %lt3A_78 : i1 to i32
      %cond3A_80 = arith.constant 0 : i32
      %cond3A_81 = arith.cmpi ne, %convert_element_type3A_79, %cond3A_80 : i32
      scf.if %cond3A_81 {
        %add3A_83 = arith.constant 1 : i32
        %add3A_84 = arith.addi %add3A_61, %add3A_83 : i32
        %mul3A_85 = arith.constant 80 : i32
        %mul3A_86 = arith.muli %add3A_84, %mul3A_85 : i32
        %dma_start3A_87 = arith.constant 0 : i32
        %dma_start3A_88 = arith.constant 0 : i32
        %dma_start3A_89 = arith.constant 0 : i32
        %dma_start3A_90 = tpu.memref_slice %arg9[%dma_start3A_87, %dma_start3A_88, %dma_start3A_89] : memref<2x80x128xf32, #tpu.memory_space<vmem>> -> memref<1x80x128xf32, #tpu.memory_space<vmem>>
        %dma_start3A_91 = tpu.memref_squeeze %dma_start3A_90 : memref<1x80x128xf32, #tpu.memory_space<vmem>> -> memref<80x128xf32, #tpu.memory_space<vmem>>
        %dma_start3A_92 = tpu.memref_slice %arg7[%mul3A_86] : memref<10000xi32, #tpu.memory_space<vmem>> -> memref<80xi32, #tpu.memory_space<vmem>>
        %dma_start3A_93 = arith.constant 0 : i32
        %dma_start3A_94 = arith.constant 0 : i32
        %dma_start3A_95 = tpu.memref_slice %arg2[%dma_start3A_93, %dma_start3A_94] : memref<10000x128xf32, #tpu.memory_space<hbm>> -> memref<10000x128xf32, #tpu.memory_space<hbm>>
        tpu.enqueue_indirect_dma source(%dma_start3A_95 : memref<10000x128xf32, #tpu.memory_space<hbm>>) target(%dma_start3A_91 : memref<80x128xf32, #tpu.memory_space<vmem>>) offsets(%dma_start3A_92 : memref<80xi32, #tpu.memory_space<vmem>>) semaphore(%arg11 : memref<!tpu.dma_semaphore, #tpu.memory_space<semaphore_mem>>)
      } else {
      }
      %run_scoped3A_82 = arith.constant 1 : i32
      "tpu.region"() ({
        %run_scoped3A_83 = tpu.sem_alloc : memref<!tpu.dma_semaphore, #tpu.memory_space<semaphore_mem>>
        %dma_start3A_84 = arith.constant 0 : i32
        %dma_start3A_85 = arith.constant 0 : i32
        %dma_start3A_86 = tpu.memref_slice %arg9[%run_scoped3A_82, %dma_start3A_84, %dma_start3A_85] : memref<2x80x128xf32, #tpu.memory_space<vmem>> -> memref<1x80x128xf32, #tpu.memory_space<vmem>>
        %dma_start3A_87 = tpu.memref_squeeze %dma_start3A_86 : memref<1x80x128xf32, #tpu.memory_space<vmem>> -> memref<80x128xf32, #tpu.memory_space<vmem>>
        %dma_start3A_88 = arith.constant 0 : i32
        %dma_start3A_89 = tpu.memref_slice %arg8[%add3A_61, %dma_start3A_88] : memref<125x80xi32, #tpu.memory_space<vmem>> -> memref<1x80xi32, #tpu.memory_space<vmem>>
        %dma_start3A_90 = tpu.memref_squeeze %dma_start3A_89 : memref<1x80xi32, #tpu.memory_space<vmem>> -> memref<80xi32, #tpu.memory_space<vmem>>
        %dma_start3A_91 = arith.constant 0 : i32
        %dma_start3A_92 = arith.constant 0 : i32
        %dma_start3A_93 = tpu.memref_slice %arg10[%dma_start3A_91, %dma_start3A_92] : memref<10240x128xf32, #tpu.memory_space<vmem_shared>> -> memref<10240x128xf32, #tpu.memory_space<vmem_shared>>
        tpu.enqueue_indirect_dma source(%dma_start3A_87 : memref<80x128xf32, #tpu.memory_space<vmem>>) target(%dma_start3A_93 : memref<10240x128xf32, #tpu.memory_space<vmem_shared>>) offsets(%dma_start3A_90 : memref<80xi32, #tpu.memory_space<vmem>>) semaphore(%run_scoped3A_83 : memref<!tpu.dma_semaphore, #tpu.memory_space<semaphore_mem>>) {add = true}
        %dma_wait3A_94 = arith.constant 0 : i32
        %dma_wait3A_95 = arith.constant 0 : i32
        %dma_wait3A_96 = tpu.memref_slice %arg9[%run_scoped3A_82, %dma_wait3A_94, %dma_wait3A_95] : memref<2x80x128xf32, #tpu.memory_space<vmem>> -> memref<1x80x128xf32, #tpu.memory_space<vmem>>
        %dma_wait3A_97 = tpu.memref_squeeze %dma_wait3A_96 : memref<1x80x128xf32, #tpu.memory_space<vmem>> -> memref<80x128xf32, #tpu.memory_space<vmem>>
        %dma_wait3A_98 = arith.constant 0 : i32
        %dma_wait3A_99 = tpu.memref_slice %arg8[%add3A_61, %dma_wait3A_98] : memref<125x80xi32, #tpu.memory_space<vmem>> -> memref<1x80xi32, #tpu.memory_space<vmem>>
        %dma_wait3A_100 = tpu.memref_squeeze %dma_wait3A_99 : memref<1x80xi32, #tpu.memory_space<vmem>> -> memref<80xi32, #tpu.memory_space<vmem>>
        %dma_wait3A_101 = arith.constant 0 : i32
        %dma_wait3A_102 = arith.constant 0 : i32
        %dma_wait3A_103 = tpu.memref_slice %arg10[%dma_wait3A_101, %dma_wait3A_102] : memref<10240x128xf32, #tpu.memory_space<vmem_shared>> -> memref<10240x128xf32, #tpu.memory_space<vmem_shared>>
        tpu.wait_indirect_dma semaphore(%run_scoped3A_83 : memref<!tpu.dma_semaphore, #tpu.memory_space<semaphore_mem>>) src(%dma_wait3A_97 : memref<80x128xf32, #tpu.memory_space<vmem>>) dst(%dma_wait3A_103 : memref<10240x128xf32, #tpu.memory_space<vmem_shared>>)
        tpu.yield
      }) : () -> ()
    }
    %scan3A_18 = arith.constant 62 : i32
    %dma_wait3A = arith.constant 0 : i32
    %dma_wait3A_19 = arith.constant 0 : i32
    %dma_wait3A_20 = arith.constant 0 : i32
    %dma_wait3A_21 = tpu.memref_slice %arg9[%dma_wait3A, %dma_wait3A_19, %dma_wait3A_20] : memref<2x80x128xf32, #tpu.memory_space<vmem>> -> memref<1x80x128xf32, #tpu.memory_space<vmem>>
    %dma_wait3A_22 = tpu.memref_squeeze %dma_wait3A_21 : memref<1x80x128xf32, #tpu.memory_space<vmem>> -> memref<80x128xf32, #tpu.memory_space<vmem>>
    %dma_wait3A_23 = arith.constant 0 : i32
    %dma_wait3A_24 = arith.constant 0 : i32
    %dma_wait3A_25 = tpu.memref_slice %arg2[%dma_wait3A_23, %dma_wait3A_24] : memref<10000x128xf32, #tpu.memory_space<hbm>> -> memref<80x128xf32, #tpu.memory_space<hbm>>
    %dma_wait3A_26 = arith.constant 0 : i32
    %dma_wait3A_27 = arith.constant 0 : i32
    %dma_wait3A_28 = tpu.memref_slice %arg9[%dma_wait3A, %dma_wait3A_26, %dma_wait3A_27] : memref<2x80x128xf32, #tpu.memory_space<vmem>> -> memref<1x80x128xf32, #tpu.memory_space<vmem>>
    %dma_wait3A_29 = tpu.memref_squeeze %dma_wait3A_28 : memref<1x80x128xf32, #tpu.memory_space<vmem>> -> memref<80x128xf32, #tpu.memory_space<vmem>>
    %dma_wait3A_30 = arith.constant 0 : i32
    %dma_wait3A_31 = arith.constant 0 : i32
    %dma_wait3A_32 = tpu.memref_slice %arg2[%dma_wait3A_30, %dma_wait3A_31] : memref<10000x128xf32, #tpu.memory_space<hbm>> -> memref<80x128xf32, #tpu.memory_space<hbm>>
    tpu.wait_dma2 semaphore(%arg11 : memref<!tpu.dma_semaphore, #tpu.memory_space<semaphore_mem>>) src(%dma_wait3A_32 : memref<80x128xf32, #tpu.memory_space<hbm>>) dst(%dma_wait3A_29 : memref<80x128xf32, #tpu.memory_space<vmem>>)
    %run_scoped3A = arith.constant 0 : i32
    %run_scoped3A_33 = arith.constant 124 : i32
    "tpu.region"() ({
      %run_scoped3A_35 = tpu.sem_alloc : memref<!tpu.dma_semaphore, #tpu.memory_space<semaphore_mem>>
      %dma_start3A_36 = arith.constant 0 : i32
      %dma_start3A_37 = arith.constant 0 : i32
      %dma_start3A_38 = tpu.memref_slice %arg9[%run_scoped3A, %dma_start3A_36, %dma_start3A_37] : memref<2x80x128xf32, #tpu.memory_space<vmem>> -> memref<1x80x128xf32, #tpu.memory_space<vmem>>
      %dma_start3A_39 = tpu.memref_squeeze %dma_start3A_38 : memref<1x80x128xf32, #tpu.memory_space<vmem>> -> memref<80x128xf32, #tpu.memory_space<vmem>>
      %dma_start3A_40 = arith.constant 0 : i32
      %dma_start3A_41 = tpu.memref_slice %arg8[%run_scoped3A_33, %dma_start3A_40] : memref<125x80xi32, #tpu.memory_space<vmem>> -> memref<1x80xi32, #tpu.memory_space<vmem>>
      %dma_start3A_42 = tpu.memref_squeeze %dma_start3A_41 : memref<1x80xi32, #tpu.memory_space<vmem>> -> memref<80xi32, #tpu.memory_space<vmem>>
      %dma_start3A_43 = arith.constant 0 : i32
      %dma_start3A_44 = arith.constant 0 : i32
      %dma_start3A_45 = tpu.memref_slice %arg10[%dma_start3A_43, %dma_start3A_44] : memref<10240x128xf32, #tpu.memory_space<vmem_shared>> -> memref<10240x128xf32, #tpu.memory_space<vmem_shared>>
      tpu.enqueue_indirect_dma source(%dma_start3A_39 : memref<80x128xf32, #tpu.memory_space<vmem>>) target(%dma_start3A_45 : memref<10240x128xf32, #tpu.memory_space<vmem_shared>>) offsets(%dma_start3A_42 : memref<80xi32, #tpu.memory_space<vmem>>) semaphore(%run_scoped3A_35 : memref<!tpu.dma_semaphore, #tpu.memory_space<semaphore_mem>>) {add = true}
      %dma_wait3A_46 = arith.constant 0 : i32
      %dma_wait3A_47 = arith.constant 0 : i32
      %dma_wait3A_48 = tpu.memref_slice %arg9[%run_scoped3A, %dma_wait3A_46, %dma_wait3A_47] : memref<2x80x128xf32, #tpu.memory_space<vmem>> -> memref<1x80x128xf32, #tpu.memory_space<vmem>>
      %dma_wait3A_49 = tpu.memref_squeeze %dma_wait3A_48 : memref<1x80x128xf32, #tpu.memory_space<vmem>> -> memref<80x128xf32, #tpu.memory_space<vmem>>
      %dma_wait3A_50 = arith.constant 0 : i32
      %dma_wait3A_51 = tpu.memref_slice %arg8[%run_scoped3A_33, %dma_wait3A_50] : memref<125x80xi32, #tpu.memory_space<vmem>> -> memref<1x80xi32, #tpu.memory_space<vmem>>
      %dma_wait3A_52 = tpu.memref_squeeze %dma_wait3A_51 : memref<1x80xi32, #tpu.memory_space<vmem>> -> memref<80xi32, #tpu.memory_space<vmem>>
      %dma_wait3A_53 = arith.constant 0 : i32
      %dma_wait3A_54 = arith.constant 0 : i32
      %dma_wait3A_55 = tpu.memref_slice %arg10[%dma_wait3A_53, %dma_wait3A_54] : memref<10240x128xf32, #tpu.memory_space<vmem_shared>> -> memref<10240x128xf32, #tpu.memory_space<vmem_shared>>
      tpu.wait_indirect_dma semaphore(%run_scoped3A_35 : memref<!tpu.dma_semaphore, #tpu.memory_space<semaphore_mem>>) src(%dma_wait3A_49 : memref<80x128xf32, #tpu.memory_space<vmem>>) dst(%dma_wait3A_55 : memref<10240x128xf32, #tpu.memory_space<vmem_shared>>)
      tpu.yield
    }) : () -> ()
    %barrier3A_34 = arith.constant 0 : index
    tpu.barrier barrier_id(%barrier3A_34)
    "tpu.region"() ({
      %run_scoped3A_35 = tpu.sem_alloc : memref<!tpu.dma_semaphore, #tpu.memory_space<semaphore_mem>>
      %dma_start3A_36 = arith.constant 0 : i32
      %dma_start3A_37 = tpu.memref_slice %arg6[%arg0, %mul3A_2, %dma_start3A_36] : memref<2x10240x128xf32, #tpu.memory_space<hbm>> -> memref<1x640x128xf32, #tpu.memory_space<hbm>>
      %dma_start3A_38 = tpu.memref_squeeze %dma_start3A_37 : memref<1x640x128xf32, #tpu.memory_space<hbm>> -> memref<640x128xf32, #tpu.memory_space<hbm>>
      %dma_start3A_39 = arith.constant 0 : i32
      %dma_start3A_40 = tpu.memref_slice %arg10[%mul3A_2, %dma_start3A_39] : memref<10240x128xf32, #tpu.memory_space<vmem_shared>> -> memref<640x128xf32, #tpu.memory_space<vmem_shared>>
      tpu.enqueue_dma source(%dma_start3A_40 : memref<640x128xf32, #tpu.memory_space<vmem_shared>>) target(%dma_start3A_38 : memref<640x128xf32, #tpu.memory_space<hbm>>) target_semaphore(%run_scoped3A_35 : memref<!tpu.dma_semaphore, #tpu.memory_space<semaphore_mem>>)
      %dma_wait3A_41 = arith.constant 0 : i32
      %dma_wait3A_42 = tpu.memref_slice %arg6[%arg0, %mul3A_2, %dma_wait3A_41] : memref<2x10240x128xf32, #tpu.memory_space<hbm>> -> memref<1x640x128xf32, #tpu.memory_space<hbm>>
      %dma_wait3A_43 = tpu.memref_squeeze %dma_wait3A_42 : memref<1x640x128xf32, #tpu.memory_space<hbm>> -> memref<640x128xf32, #tpu.memory_space<hbm>>
      %dma_wait3A_44 = arith.constant 0 : i32
      %dma_wait3A_45 = tpu.memref_slice %arg10[%mul3A_2, %dma_wait3A_44] : memref<10240x128xf32, #tpu.memory_space<vmem_shared>> -> memref<640x128xf32, #tpu.memory_space<vmem_shared>>
      tpu.wait_dma2 semaphore(%run_scoped3A_35 : memref<!tpu.dma_semaphore, #tpu.memory_space<semaphore_mem>>) src(%dma_wait3A_45 : memref<640x128xf32, #tpu.memory_space<vmem_shared>>) dst(%dma_wait3A_43 : memref<640x128xf32, #tpu.memory_space<hbm>>)
      tpu.yield
    }) : () -> ()
    return
  }
}

#map = affine_map<(d0, d1) -> (0, 0, 0)>
#map1 = affine_map<(d0, d1) -> (0, 0)>
module attributes {stable_mosaic.version = 14 : i64} {
  func.func @sc_seg_cnt(%arg0: i32, %arg1: i32, %arg2: memref<32x125x80xi32, #tpu.memory_space<hbm>>, %arg3: memref<640x128xf32, #tpu.memory_space<hbm>>, %arg4: memref<2x10240x128xf32, #tpu.memory_space<hbm>>, %arg5: memref<125x80xi32, #tpu.memory_space<vmem>>, %arg6: memref<80x128xf32, #tpu.memory_space<vmem>>, %arg7: memref<10240x128xf32, #tpu.memory_space<vmem_shared>>) attributes {dimension_semantics = [#tpu.dimension_semantics<core_parallel>, #tpu.dimension_semantics<subcore_parallel>], iteration_bounds = array<i64: 2, 16>, scalar_prefetch = 0 : i64, scratch_operands = 3 : i64, tpu.core_type = #tpu.core_type<sc_vector_subcore>, window_params = [{transform_indices = #map}, {transform_indices = #map1}, {transform_indices = #map}]} {
    %mul3A = arith.constant 16 : i32
    %mul3A_0 = arith.muli %arg0, %mul3A : i32
    %add3A = arith.addi %mul3A_0, %arg1 : i32
    %mul3A_1 = arith.constant 640 : i32
    %mul3A_2 = arith.muli %arg1, %mul3A_1 : i32
    "tpu.region"() ({
      %run_scoped3A = tpu.sem_alloc : memref<!tpu.dma_semaphore, #tpu.memory_space<semaphore_mem>>
      %dma_start3A = arith.constant 0 : i32
      %dma_start3A_16 = tpu.memref_slice %arg7[%mul3A_2, %dma_start3A] : memref<10240x128xf32, #tpu.memory_space<vmem_shared>> -> memref<640x128xf32, #tpu.memory_space<vmem_shared>>
      tpu.enqueue_dma source(%arg3 : memref<640x128xf32, #tpu.memory_space<hbm>>) target(%dma_start3A_16 : memref<640x128xf32, #tpu.memory_space<vmem_shared>>) target_semaphore(%run_scoped3A : memref<!tpu.dma_semaphore, #tpu.memory_space<semaphore_mem>>)
      %dma_wait3A = arith.constant 0 : i32
      %dma_wait3A_17 = tpu.memref_slice %arg7[%mul3A_2, %dma_wait3A] : memref<10240x128xf32, #tpu.memory_space<vmem_shared>> -> memref<640x128xf32, #tpu.memory_space<vmem_shared>>
      tpu.wait_dma2 semaphore(%run_scoped3A : memref<!tpu.dma_semaphore, #tpu.memory_space<semaphore_mem>>) src(%arg3 : memref<640x128xf32, #tpu.memory_space<hbm>>) dst(%dma_wait3A_17 : memref<640x128xf32, #tpu.memory_space<vmem_shared>>)
      tpu.yield
    }) : () -> ()
    "tpu.region"() ({
      %run_scoped3A = tpu.sem_alloc : memref<!tpu.dma_semaphore, #tpu.memory_space<semaphore_mem>>
      %dma_start3A = arith.constant 0 : i32
      %dma_start3A_16 = arith.constant 0 : i32
      %dma_start3A_17 = tpu.memref_slice %arg2[%add3A, %dma_start3A, %dma_start3A_16] : memref<32x125x80xi32, #tpu.memory_space<hbm>> -> memref<1x125x80xi32, #tpu.memory_space<hbm>>
      %dma_start3A_18 = tpu.memref_squeeze %dma_start3A_17 : memref<1x125x80xi32, #tpu.memory_space<hbm>> -> memref<125x80xi32, #tpu.memory_space<hbm>>
      %dma_start3A_19 = arith.constant 0 : i32
      %dma_start3A_20 = arith.constant 0 : i32
      %dma_start3A_21 = tpu.memref_slice %arg2[%add3A, %dma_start3A_19, %dma_start3A_20] : memref<32x125x80xi32, #tpu.memory_space<hbm>> -> memref<1x125x80xi32, #tpu.memory_space<hbm>>
      %dma_start3A_22 = tpu.memref_squeeze %dma_start3A_21 : memref<1x125x80xi32, #tpu.memory_space<hbm>> -> memref<125x80xi32, #tpu.memory_space<hbm>>
      tpu.enqueue_dma source(%dma_start3A_22 : memref<125x80xi32, #tpu.memory_space<hbm>>) target(%arg5 : memref<125x80xi32, #tpu.memory_space<vmem>>) target_semaphore(%run_scoped3A : memref<!tpu.dma_semaphore, #tpu.memory_space<semaphore_mem>>)
      %dma_wait3A = arith.constant 0 : i32
      %dma_wait3A_23 = arith.constant 0 : i32
      %dma_wait3A_24 = tpu.memref_slice %arg2[%add3A, %dma_wait3A, %dma_wait3A_23] : memref<32x125x80xi32, #tpu.memory_space<hbm>> -> memref<1x125x80xi32, #tpu.memory_space<hbm>>
      %dma_wait3A_25 = tpu.memref_squeeze %dma_wait3A_24 : memref<1x125x80xi32, #tpu.memory_space<hbm>> -> memref<125x80xi32, #tpu.memory_space<hbm>>
      %dma_wait3A_26 = arith.constant 0 : i32
      %dma_wait3A_27 = arith.constant 0 : i32
      %dma_wait3A_28 = tpu.memref_slice %arg2[%add3A, %dma_wait3A_26, %dma_wait3A_27] : memref<32x125x80xi32, #tpu.memory_space<hbm>> -> memref<1x125x80xi32, #tpu.memory_space<hbm>>
      %dma_wait3A_29 = tpu.memref_squeeze %dma_wait3A_28 : memref<1x125x80xi32, #tpu.memory_space<hbm>> -> memref<125x80xi32, #tpu.memory_space<hbm>>
      tpu.wait_dma2 semaphore(%run_scoped3A : memref<!tpu.dma_semaphore, #tpu.memory_space<semaphore_mem>>) src(%dma_wait3A_29 : memref<125x80xi32, #tpu.memory_space<hbm>>) dst(%arg5 : memref<125x80xi32, #tpu.memory_space<vmem>>)
      tpu.yield
    }) : () -> ()
    %broadcast_in_dim3A = arith.constant 1.000000e+00 : f32
    %broadcast_in_dim3A_3 = vector.broadcast %broadcast_in_dim3A : f32 to vector<16xf32>
    %scan3A = arith.constant 0 : i32
    %scan3A_4 = arith.constant 0 : i32
    %scan3A_5 = arith.constant 80 : i32
    %scan3A_6 = arith.addi %scan3A_4, %scan3A_5 : i32
    %scan3A_7 = arith.constant 1 : i32
    scf.for %scan3A_16 = %scan3A_4 to %scan3A_6 step %scan3A_7  : i32 {
      %swap3A = arith.index_cast %scan3A_16 : i32 to index
      %swap3A_17 = arith.constant 0 : index
      %swap3A_18 = tpu.vector_load %arg6[%swap3A, %swap3A_17] {strides = array<i32>} : memref<80x128xf32, #tpu.memory_space<vmem>>, vector<1x16xf32>,
      %swap3A_19 = vector.shape_cast %swap3A_18 : vector<1x16xf32> to vector<16xf32>
      %swap3A_20 = vector.shape_cast %broadcast_in_dim3A_3 : vector<16xf32> to vector<1x16xf32>
      tpu.vector_store %arg6[%swap3A, %swap3A_17], %swap3A_20 {strides = array<i32>} : memref<80x128xf32, #tpu.memory_space<vmem>>, vector<1x16xf32>,
      %swap3A_21 = arith.index_cast %scan3A_16 : i32 to index
      %swap3A_22 = arith.constant 16 : index
      %swap3A_23 = tpu.vector_load %arg6[%swap3A_21, %swap3A_22] {strides = array<i32>} : memref<80x128xf32, #tpu.memory_space<vmem>>, vector<1x16xf32>,
      %swap3A_24 = vector.shape_cast %swap3A_23 : vector<1x16xf32> to vector<16xf32>
      %swap3A_25 = vector.shape_cast %broadcast_in_dim3A_3 : vector<16xf32> to vector<1x16xf32>
      tpu.vector_store %arg6[%swap3A_21, %swap3A_22], %swap3A_25 {strides = array<i32>} : memref<80x128xf32, #tpu.memory_space<vmem>>, vector<1x16xf32>,
      %swap3A_26 = arith.index_cast %scan3A_16 : i32 to index
      %swap3A_27 = arith.constant 32 : index
      %swap3A_28 = tpu.vector_load %arg6[%swap3A_26, %swap3A_27] {strides = array<i32>} : memref<80x128xf32, #tpu.memory_space<vmem>>, vector<1x16xf32>,
      %swap3A_29 = vector.shape_cast %swap3A_28 : vector<1x16xf32> to vector<16xf32>
      %swap3A_30 = vector.shape_cast %broadcast_in_dim3A_3 : vector<16xf32> to vector<1x16xf32>
      tpu.vector_store %arg6[%swap3A_26, %swap3A_27], %swap3A_30 {strides = array<i32>} : memref<80x128xf32, #tpu.memory_space<vmem>>, vector<1x16xf32>,
      %swap3A_31 = arith.index_cast %scan3A_16 : i32 to index
      %swap3A_32 = arith.constant 48 : index
      %swap3A_33 = tpu.vector_load %arg6[%swap3A_31, %swap3A_32] {strides = array<i32>} : memref<80x128xf32, #tpu.memory_space<vmem>>, vector<1x16xf32>,
      %swap3A_34 = vector.shape_cast %swap3A_33 : vector<1x16xf32> to vector<16xf32>
      %swap3A_35 = vector.shape_cast %broadcast_in_dim3A_3 : vector<16xf32> to vector<1x16xf32>
      tpu.vector_store %arg6[%swap3A_31, %swap3A_32], %swap3A_35 {strides = array<i32>} : memref<80x128xf32, #tpu.memory_space<vmem>>, vector<1x16xf32>,
      %swap3A_36 = arith.index_cast %scan3A_16 : i32 to index
      %swap3A_37 = arith.constant 64 : index
      %swap3A_38 = tpu.vector_load %arg6[%swap3A_36, %swap3A_37] {strides = array<i32>} : memref<80x128xf32, #tpu.memory_space<vmem>>, vector<1x16xf32>,
      %swap3A_39 = vector.shape_cast %swap3A_38 : vector<1x16xf32> to vector<16xf32>
      %swap3A_40 = vector.shape_cast %broadcast_in_dim3A_3 : vector<16xf32> to vector<1x16xf32>
      tpu.vector_store %arg6[%swap3A_36, %swap3A_37], %swap3A_40 {strides = array<i32>} : memref<80x128xf32, #tpu.memory_space<vmem>>, vector<1x16xf32>,
      %swap3A_41 = arith.index_cast %scan3A_16 : i32 to index
      %swap3A_42 = arith.constant 80 : index
      %swap3A_43 = tpu.vector_load %arg6[%swap3A_41, %swap3A_42] {strides = array<i32>} : memref<80x128xf32, #tpu.memory_space<vmem>>, vector<1x16xf32>,
      %swap3A_44 = vector.shape_cast %swap3A_43 : vector<1x16xf32> to vector<16xf32>
      %swap3A_45 = vector.shape_cast %broadcast_in_dim3A_3 : vector<16xf32> to vector<1x16xf32>
      tpu.vector_store %arg6[%swap3A_41, %swap3A_42], %swap3A_45 {strides = array<i32>} : memref<80x128xf32, #tpu.memory_space<vmem>>, vector<1x16xf32>,
      %swap3A_46 = arith.index_cast %scan3A_16 : i32 to index
      %swap3A_47 = arith.constant 96 : index
      %swap3A_48 = tpu.vector_load %arg6[%swap3A_46, %swap3A_47] {strides = array<i32>} : memref<80x128xf32, #tpu.memory_space<vmem>>, vector<1x16xf32>,
      %swap3A_49 = vector.shape_cast %swap3A_48 : vector<1x16xf32> to vector<16xf32>
      %swap3A_50 = vector.shape_cast %broadcast_in_dim3A_3 : vector<16xf32> to vector<1x16xf32>
      tpu.vector_store %arg6[%swap3A_46, %swap3A_47], %swap3A_50 {strides = array<i32>} : memref<80x128xf32, #tpu.memory_space<vmem>>, vector<1x16xf32>,
      %swap3A_51 = arith.index_cast %scan3A_16 : i32 to index
      %swap3A_52 = arith.constant 112 : index
      %swap3A_53 = tpu.vector_load %arg6[%swap3A_51, %swap3A_52] {strides = array<i32>} : memref<80x128xf32, #tpu.memory_space<vmem>>, vector<1x16xf32>,
      %swap3A_54 = vector.shape_cast %swap3A_53 : vector<1x16xf32> to vector<16xf32>
      %swap3A_55 = vector.shape_cast %broadcast_in_dim3A_3 : vector<16xf32> to vector<1x16xf32>
      tpu.vector_store %arg6[%swap3A_51, %swap3A_52], %swap3A_55 {strides = array<i32>} : memref<80x128xf32, #tpu.memory_space<vmem>>, vector<1x16xf32>,
    }
    %scan3A_8 = arith.constant 80 : i32
    %barrier3A = arith.constant 0 : index
    tpu.barrier barrier_id(%barrier3A)
    %scan3A_9 = arith.constant 0 : i32
    %scan3A_10 = arith.constant 0 : i32
    %scan3A_11 = arith.constant 125 : i32
    %scan3A_12 = arith.addi %scan3A_10, %scan3A_11 : i32
    %scan3A_13 = arith.constant 1 : i32
    scf.for %scan3A_16 = %scan3A_10 to %scan3A_12 step %scan3A_13  : i32 {
      "tpu.region"() ({
        %run_scoped3A = tpu.sem_alloc : memref<!tpu.dma_semaphore, #tpu.memory_space<semaphore_mem>>
        %dma_start3A = arith.constant 0 : i32
        %dma_start3A_17 = tpu.memref_slice %arg5[%scan3A_16, %dma_start3A] : memref<125x80xi32, #tpu.memory_space<vmem>> -> memref<1x80xi32, #tpu.memory_space<vmem>>
        %dma_start3A_18 = tpu.memref_squeeze %dma_start3A_17 : memref<1x80xi32, #tpu.memory_space<vmem>> -> memref<80xi32, #tpu.memory_space<vmem>>
        %dma_start3A_19 = arith.constant 0 : i32
        %dma_start3A_20 = arith.constant 0 : i32
        %dma_start3A_21 = tpu.memref_slice %arg7[%dma_start3A_19, %dma_start3A_20] : memref<10240x128xf32, #tpu.memory_space<vmem_shared>> -> memref<10240x128xf32, #tpu.memory_space<vmem_shared>>
        tpu.enqueue_indirect_dma source(%arg6 : memref<80x128xf32, #tpu.memory_space<vmem>>) target(%dma_start3A_21 : memref<10240x128xf32, #tpu.memory_space<vmem_shared>>) offsets(%dma_start3A_18 : memref<80xi32, #tpu.memory_space<vmem>>) semaphore(%run_scoped3A : memref<!tpu.dma_semaphore, #tpu.memory_space<semaphore_mem>>) {add = true}
        %dma_wait3A = arith.constant 0 : i32
        %dma_wait3A_22 = tpu.memref_slice %arg5[%scan3A_16, %dma_wait3A] : memref<125x80xi32, #tpu.memory_space<vmem>> -> memref<1x80xi32, #tpu.memory_space<vmem>>
        %dma_wait3A_23 = tpu.memref_squeeze %dma_wait3A_22 : memref<1x80xi32, #tpu.memory_space<vmem>> -> memref<80xi32, #tpu.memory_space<vmem>>
        %dma_wait3A_24 = arith.constant 0 : i32
        %dma_wait3A_25 = arith.constant 0 : i32
        %dma_wait3A_26 = tpu.memref_slice %arg7[%dma_wait3A_24, %dma_wait3A_25] : memref<10240x128xf32, #tpu.memory_space<vmem_shared>> -> memref<10240x128xf32, #tpu.memory_space<vmem_shared>>
        tpu.wait_indirect_dma semaphore(%run_scoped3A : memref<!tpu.dma_semaphore, #tpu.memory_space<semaphore_mem>>) src(%arg6 : memref<80x128xf32, #tpu.memory_space<vmem>>) dst(%dma_wait3A_26 : memref<10240x128xf32, #tpu.memory_space<vmem_shared>>)
        tpu.yield
      }) : () -> ()
    }
    %scan3A_14 = arith.constant 125 : i32
    %barrier3A_15 = arith.constant 0 : index
    tpu.barrier barrier_id(%barrier3A_15)
    "tpu.region"() ({
      %run_scoped3A = tpu.sem_alloc : memref<!tpu.dma_semaphore, #tpu.memory_space<semaphore_mem>>
      %dma_start3A = arith.constant 0 : i32
      %dma_start3A_16 = tpu.memref_slice %arg4[%arg0, %mul3A_2, %dma_start3A] : memref<2x10240x128xf32, #tpu.memory_space<hbm>> -> memref<1x640x128xf32, #tpu.memory_space<hbm>>
      %dma_start3A_17 = tpu.memref_squeeze %dma_start3A_16 : memref<1x640x128xf32, #tpu.memory_space<hbm>> -> memref<640x128xf32, #tpu.memory_space<hbm>>
      %dma_start3A_18 = arith.constant 0 : i32
      %dma_start3A_19 = tpu.memref_slice %arg7[%mul3A_2, %dma_start3A_18] : memref<10240x128xf32, #tpu.memory_space<vmem_shared>> -> memref<640x128xf32, #tpu.memory_space<vmem_shared>>
      tpu.enqueue_dma source(%dma_start3A_19 : memref<640x128xf32, #tpu.memory_space<vmem_shared>>) target(%dma_start3A_17 : memref<640x128xf32, #tpu.memory_space<hbm>>) target_semaphore(%run_scoped3A : memref<!tpu.dma_semaphore, #tpu.memory_space<semaphore_mem>>)
      %dma_wait3A = arith.constant 0 : i32
      %dma_wait3A_20 = tpu.memref_slice %arg4[%arg0, %mul3A_2, %dma_wait3A] : memref<2x10240x128xf32, #tpu.memory_space<hbm>> -> memref<1x640x128xf32, #tpu.memory_space<hbm>>
      %dma_wait3A_21 = tpu.memref_squeeze %dma_wait3A_20 : memref<1x640x128xf32, #tpu.memory_space<hbm>> -> memref<640x128xf32, #tpu.memory_space<hbm>>
      %dma_wait3A_22 = arith.constant 0 : i32
      %dma_wait3A_23 = tpu.memref_slice %arg7[%mul3A_2, %dma_wait3A_22] : memref<10240x128xf32, #tpu.memory_space<vmem_shared>> -> memref<640x128xf32, #tpu.memory_space<vmem_shared>>
      tpu.wait_dma2 semaphore(%run_scoped3A : memref<!tpu.dma_semaphore, #tpu.memory_space<semaphore_mem>>) src(%dma_wait3A_23 : memref<640x128xf32, #tpu.memory_space<vmem_shared>>) dst(%dma_wait3A_21 : memref<640x128xf32, #tpu.memory_space<hbm>>)
      tpu.yield
    }) : () -> ()
    return
  }
}

#map = affine_map<(d0, d1) -> (0, 0)>
#map1 = affine_map<(d0, d1) -> (0)>
#map2 = affine_map<(d0, d1) -> (0, 0, 0)>
module attributes {stable_mosaic.version = 14 : i64} {
  func.func @sc_seg_agg(%arg0: i32, %arg1: i32, %arg2: memref<10000x128xf32, #tpu.memory_space<hbm>>, %arg3: memref<320000xi32, #tpu.memory_space<hbm>>, %arg4: memref<32x125x80xi32, #tpu.memory_space<hbm>>, %arg5: memref<640x128xf32, #tpu.memory_space<hbm>>, %arg6: memref<2x10240x128xf32, #tpu.memory_space<hbm>>, %arg7: memref<10000xi32, #tpu.memory_space<vmem>>, %arg8: memref<125x80xi32, #tpu.memory_space<vmem>>, %arg9: memref<2x80x128xf32, #tpu.memory_space<vmem>>, %arg10: memref<10240x128xf32, #tpu.memory_space<vmem_shared>>, %arg11: memref<!tpu.dma_semaphore, #tpu.memory_space<semaphore_mem>>) attributes {dimension_semantics = [#tpu.dimension_semantics<core_parallel>, #tpu.dimension_semantics<subcore_parallel>], iteration_bounds = array<i64: 2, 16>, scalar_prefetch = 0 : i64, scratch_operands = 5 : i64, tpu.core_type = #tpu.core_type<sc_vector_subcore>, window_params = [{transform_indices = #map}, {transform_indices = #map1}, {transform_indices = #map2}, {transform_indices = #map}, {transform_indices = #map2}]} {
    %mul3A = arith.constant 16 : i32
    %mul3A_0 = arith.muli %arg0, %mul3A : i32
    %add3A = arith.addi %mul3A_0, %arg1 : i32
    %mul3A_1 = arith.constant 640 : i32
    %mul3A_2 = arith.muli %arg1, %mul3A_1 : i32
    "tpu.region"() ({
      %run_scoped3A_35 = tpu.sem_alloc : memref<!tpu.dma_semaphore, #tpu.memory_space<semaphore_mem>>
      %dma_start3A_36 = arith.constant 0 : i32
      %dma_start3A_37 = tpu.memref_slice %arg10[%mul3A_2, %dma_start3A_36] : memref<10240x128xf32, #tpu.memory_space<vmem_shared>> -> memref<640x128xf32, #tpu.memory_space<vmem_shared>>
      tpu.enqueue_dma source(%arg5 : memref<640x128xf32, #tpu.memory_space<hbm>>) target(%dma_start3A_37 : memref<640x128xf32, #tpu.memory_space<vmem_shared>>) target_semaphore(%run_scoped3A_35 : memref<!tpu.dma_semaphore, #tpu.memory_space<semaphore_mem>>)
      %dma_wait3A_38 = arith.constant 0 : i32
      %dma_wait3A_39 = tpu.memref_slice %arg10[%mul3A_2, %dma_wait3A_38] : memref<10240x128xf32, #tpu.memory_space<vmem_shared>> -> memref<640x128xf32, #tpu.memory_space<vmem_shared>>
      tpu.wait_dma2 semaphore(%run_scoped3A_35 : memref<!tpu.dma_semaphore, #tpu.memory_space<semaphore_mem>>) src(%arg5 : memref<640x128xf32, #tpu.memory_space<hbm>>) dst(%dma_wait3A_39 : memref<640x128xf32, #tpu.memory_space<vmem_shared>>)
      tpu.yield
    }) : () -> ()
    %mul3A_3 = arith.constant 10000 : i32
    %mul3A_4 = arith.muli %add3A, %mul3A_3 : i32
    "tpu.region"() ({
      %run_scoped3A_35 = tpu.sem_alloc : memref<!tpu.dma_semaphore, #tpu.memory_space<semaphore_mem>>
      %dma_start3A_36 = tpu.memref_slice %arg3[%mul3A_4] : memref<320000xi32, #tpu.memory_space<hbm>> -> memref<10000xi32, #tpu.memory_space<hbm>>
      %dma_start3A_37 = tpu.memref_slice %arg3[%mul3A_4] : memref<320000xi32, #tpu.memory_space<hbm>> -> memref<10000xi32, #tpu.memory_space<hbm>>
      tpu.enqueue_dma source(%dma_start3A_37 : memref<10000xi32, #tpu.memory_space<hbm>>) target(%arg7 : memref<10000xi32, #tpu.memory_space<vmem>>) target_semaphore(%run_scoped3A_35 : memref<!tpu.dma_semaphore, #tpu.memory_space<semaphore_mem>>)
      %dma_wait3A_38 = tpu.memref_slice %arg3[%mul3A_4] : memref<320000xi32, #tpu.memory_space<hbm>> -> memref<10000xi32, #tpu.memory_space<hbm>>
      %dma_wait3A_39 = tpu.memref_slice %arg3[%mul3A_4] : memref<320000xi32, #tpu.memory_space<hbm>> -> memref<10000xi32, #tpu.memory_space<hbm>>
      tpu.wait_dma2 semaphore(%run_scoped3A_35 : memref<!tpu.dma_semaphore, #tpu.memory_space<semaphore_mem>>) src(%dma_wait3A_39 : memref<10000xi32, #tpu.memory_space<hbm>>) dst(%arg7 : memref<10000xi32, #tpu.memory_space<vmem>>)
      tpu.yield
    }) : () -> ()
    "tpu.region"() ({
      %run_scoped3A_35 = tpu.sem_alloc : memref<!tpu.dma_semaphore, #tpu.memory_space<semaphore_mem>>
      %dma_start3A_36 = arith.constant 0 : i32
      %dma_start3A_37 = arith.constant 0 : i32
      %dma_start3A_38 = tpu.memref_slice %arg4[%add3A, %dma_start3A_36, %dma_start3A_37] : memref<32x125x80xi32, #tpu.memory_space<hbm>> -> memref<1x125x80xi32, #tpu.memory_space<hbm>>
      %dma_start3A_39 = tpu.memref_squeeze %dma_start3A_38 : memref<1x125x80xi32, #tpu.memory_space<hbm>> -> memref<125x80xi32, #tpu.memory_space<hbm>>
      %dma_start3A_40 = arith.constant 0 : i32
      %dma_start3A_41 = arith.constant 0 : i32
      %dma_start3A_42 = tpu.memref_slice %arg4[%add3A, %dma_start3A_40, %dma_start3A_41] : memref<32x125x80xi32, #tpu.memory_space<hbm>> -> memref<1x125x80xi32, #tpu.memory_space<hbm>>
      %dma_start3A_43 = tpu.memref_squeeze %dma_start3A_42 : memref<1x125x80xi32, #tpu.memory_space<hbm>> -> memref<125x80xi32, #tpu.memory_space<hbm>>
      tpu.enqueue_dma source(%dma_start3A_43 : memref<125x80xi32, #tpu.memory_space<hbm>>) target(%arg8 : memref<125x80xi32, #tpu.memory_space<vmem>>) target_semaphore(%run_scoped3A_35 : memref<!tpu.dma_semaphore, #tpu.memory_space<semaphore_mem>>)
      %dma_wait3A_44 = arith.constant 0 : i32
      %dma_wait3A_45 = arith.constant 0 : i32
      %dma_wait3A_46 = tpu.memref_slice %arg4[%add3A, %dma_wait3A_44, %dma_wait3A_45] : memref<32x125x80xi32, #tpu.memory_space<hbm>> -> memref<1x125x80xi32, #tpu.memory_space<hbm>>
      %dma_wait3A_47 = tpu.memref_squeeze %dma_wait3A_46 : memref<1x125x80xi32, #tpu.memory_space<hbm>> -> memref<125x80xi32, #tpu.memory_space<hbm>>
      %dma_wait3A_48 = arith.constant 0 : i32
      %dma_wait3A_49 = arith.constant 0 : i32
      %dma_wait3A_50 = tpu.memref_slice %arg4[%add3A, %dma_wait3A_48, %dma_wait3A_49] : memref<32x125x80xi32, #tpu.memory_space<hbm>> -> memref<1x125x80xi32, #tpu.memory_space<hbm>>
      %dma_wait3A_51 = tpu.memref_squeeze %dma_wait3A_50 : memref<1x125x80xi32, #tpu.memory_space<hbm>> -> memref<125x80xi32, #tpu.memory_space<hbm>>
      tpu.wait_dma2 semaphore(%run_scoped3A_35 : memref<!tpu.dma_semaphore, #tpu.memory_space<semaphore_mem>>) src(%dma_wait3A_51 : memref<125x80xi32, #tpu.memory_space<hbm>>) dst(%arg8 : memref<125x80xi32, #tpu.memory_space<vmem>>)
      tpu.yield
    }) : () -> ()
    %barrier3A = arith.constant 0 : index
    tpu.barrier barrier_id(%barrier3A)
    %dma_start3A = arith.constant 0 : i32
    %dma_start3A_5 = arith.constant 0 : i32
    %dma_start3A_6 = arith.constant 0 : i32
    %dma_start3A_7 = tpu.memref_slice %arg9[%dma_start3A, %dma_start3A_5, %dma_start3A_6] : memref<2x80x128xf32, #tpu.memory_space<vmem>> -> memref<1x80x128xf32, #tpu.memory_space<vmem>>
    %dma_start3A_8 = tpu.memref_squeeze %dma_start3A_7 : memref<1x80x128xf32, #tpu.memory_space<vmem>> -> memref<80x128xf32, #tpu.memory_space<vmem>>
    %dma_start3A_9 = arith.constant 0 : i32
    %dma_start3A_10 = tpu.memref_slice %arg7[%dma_start3A_9] : memref<10000xi32, #tpu.memory_space<vmem>> -> memref<80xi32, #tpu.memory_space<vmem>>
    %dma_start3A_11 = arith.constant 0 : i32
    %dma_start3A_12 = arith.constant 0 : i32
    %dma_start3A_13 = tpu.memref_slice %arg2[%dma_start3A_11, %dma_start3A_12] : memref<10000x128xf32, #tpu.memory_space<hbm>> -> memref<10000x128xf32, #tpu.memory_space<hbm>>
    tpu.enqueue_indirect_dma source(%dma_start3A_13 : memref<10000x128xf32, #tpu.memory_space<hbm>>) target(%dma_start3A_8 : memref<80x128xf32, #tpu.memory_space<vmem>>) offsets(%dma_start3A_10 : memref<80xi32, #tpu.memory_space<vmem>>) semaphore(%arg11 : memref<!tpu.dma_semaphore, #tpu.memory_space<semaphore_mem>>)
    %scan3A = arith.constant 0 : i32
    %scan3A_14 = arith.constant 0 : i32
    %scan3A_15 = arith.constant 62 : i32
    %scan3A_16 = arith.addi %scan3A_14, %scan3A_15 : i32
    %scan3A_17 = arith.constant 1 : i32
    scf.for %scan3A_35 = %scan3A_14 to %scan3A_16 step %scan3A_17  : i32 {
      %mul3A_36 = arith.constant 2 : i32
      %mul3A_37 = arith.muli %mul3A_36, %scan3A_35 : i32
      %add3A_38 = arith.constant 0 : i32
      %add3A_39 = arith.addi %mul3A_37, %add3A_38 : i32
      %dma_wait3A_40 = arith.constant 0 : i32
      %dma_wait3A_41 = arith.constant 0 : i32
      %dma_wait3A_42 = arith.constant 0 : i32
      %dma_wait3A_43 = tpu.memref_slice %arg9[%dma_wait3A_40, %dma_wait3A_41, %dma_wait3A_42] : memref<2x80x128xf32, #tpu.memory_space<vmem>> -> memref<1x80x128xf32, #tpu.memory_space<vmem>>
      %dma_wait3A_44 = tpu.memref_squeeze %dma_wait3A_43 : memref<1x80x128xf32, #tpu.memory_space<vmem>> -> memref<80x128xf32, #tpu.memory_space<vmem>>
      %dma_wait3A_45 = arith.constant 0 : i32
      %dma_wait3A_46 = arith.constant 0 : i32
      %dma_wait3A_47 = tpu.memref_slice %arg2[%dma_wait3A_45, %dma_wait3A_46] : memref<10000x128xf32, #tpu.memory_space<hbm>> -> memref<80x128xf32, #tpu.memory_space<hbm>>
      %dma_wait3A_48 = arith.constant 0 : i32
      %dma_wait3A_49 = arith.constant 0 : i32
      %dma_wait3A_50 = tpu.memref_slice %arg9[%dma_wait3A_40, %dma_wait3A_48, %dma_wait3A_49] : memref<2x80x128xf32, #tpu.memory_space<vmem>> -> memref<1x80x128xf32, #tpu.memory_space<vmem>>
      %dma_wait3A_51 = tpu.memref_squeeze %dma_wait3A_50 : memref<1x80x128xf32, #tpu.memory_space<vmem>> -> memref<80x128xf32, #tpu.memory_space<vmem>>
      %dma_wait3A_52 = arith.constant 0 : i32
      %dma_wait3A_53 = arith.constant 0 : i32
      %dma_wait3A_54 = tpu.memref_slice %arg2[%dma_wait3A_52, %dma_wait3A_53] : memref<10000x128xf32, #tpu.memory_space<hbm>> -> memref<80x128xf32, #tpu.memory_space<hbm>>
      tpu.wait_dma2 semaphore(%arg11 : memref<!tpu.dma_semaphore, #tpu.memory_space<semaphore_mem>>) src(%dma_wait3A_54 : memref<80x128xf32, #tpu.memory_space<hbm>>) dst(%dma_wait3A_51 : memref<80x128xf32, #tpu.memory_space<vmem>>)
      %lt3A = arith.constant 124 : i32
      %lt3A_55 = arith.cmpi slt, %add3A_39, %lt3A : i32
      %convert_element_type3A = arith.extui %lt3A_55 : i1 to i32
      %cond3A = arith.constant 0 : i32
      %cond3A_56 = arith.cmpi ne, %convert_element_type3A, %cond3A : i32
      scf.if %cond3A_56 {
        %add3A_83 = arith.constant 1 : i32
        %add3A_84 = arith.addi %add3A_39, %add3A_83 : i32
        %mul3A_85 = arith.constant 80 : i32
        %mul3A_86 = arith.muli %add3A_84, %mul3A_85 : i32
        %dma_start3A_87 = arith.constant 1 : i32
        %dma_start3A_88 = arith.constant 0 : i32
        %dma_start3A_89 = arith.constant 0 : i32
        %dma_start3A_90 = tpu.memref_slice %arg9[%dma_start3A_87, %dma_start3A_88, %dma_start3A_89] : memref<2x80x128xf32, #tpu.memory_space<vmem>> -> memref<1x80x128xf32, #tpu.memory_space<vmem>>
        %dma_start3A_91 = tpu.memref_squeeze %dma_start3A_90 : memref<1x80x128xf32, #tpu.memory_space<vmem>> -> memref<80x128xf32, #tpu.memory_space<vmem>>
        %dma_start3A_92 = tpu.memref_slice %arg7[%mul3A_86] : memref<10000xi32, #tpu.memory_space<vmem>> -> memref<80xi32, #tpu.memory_space<vmem>>
        %dma_start3A_93 = arith.constant 0 : i32
        %dma_start3A_94 = arith.constant 0 : i32
        %dma_start3A_95 = tpu.memref_slice %arg2[%dma_start3A_93, %dma_start3A_94] : memref<10000x128xf32, #tpu.memory_space<hbm>> -> memref<10000x128xf32, #tpu.memory_space<hbm>>
        tpu.enqueue_indirect_dma source(%dma_start3A_95 : memref<10000x128xf32, #tpu.memory_space<hbm>>) target(%dma_start3A_91 : memref<80x128xf32, #tpu.memory_space<vmem>>) offsets(%dma_start3A_92 : memref<80xi32, #tpu.memory_space<vmem>>) semaphore(%arg11 : memref<!tpu.dma_semaphore, #tpu.memory_space<semaphore_mem>>)
      } else {
      }
      %run_scoped3A_57 = arith.constant 0 : i32
      "tpu.region"() ({
        %run_scoped3A_83 = tpu.sem_alloc : memref<!tpu.dma_semaphore, #tpu.memory_space<semaphore_mem>>
        %dma_start3A_84 = arith.constant 0 : i32
        %dma_start3A_85 = arith.constant 0 : i32
        %dma_start3A_86 = tpu.memref_slice %arg9[%run_scoped3A_57, %dma_start3A_84, %dma_start3A_85] : memref<2x80x128xf32, #tpu.memory_space<vmem>> -> memref<1x80x128xf32, #tpu.memory_space<vmem>>
        %dma_start3A_87 = tpu.memref_squeeze %dma_start3A_86 : memref<1x80x128xf32, #tpu.memory_space<vmem>> -> memref<80x128xf32, #tpu.memory_space<vmem>>
        %dma_start3A_88 = arith.constant 0 : i32
        %dma_start3A_89 = tpu.memref_slice %arg8[%add3A_39, %dma_start3A_88] : memref<125x80xi32, #tpu.memory_space<vmem>> -> memref<1x80xi32, #tpu.memory_space<vmem>>
        %dma_start3A_90 = tpu.memref_squeeze %dma_start3A_89 : memref<1x80xi32, #tpu.memory_space<vmem>> -> memref<80xi32, #tpu.memory_space<vmem>>
        %dma_start3A_91 = arith.constant 0 : i32
        %dma_start3A_92 = arith.constant 0 : i32
        %dma_start3A_93 = tpu.memref_slice %arg10[%dma_start3A_91, %dma_start3A_92] : memref<10240x128xf32, #tpu.memory_space<vmem_shared>> -> memref<10240x128xf32, #tpu.memory_space<vmem_shared>>
        tpu.enqueue_indirect_dma source(%dma_start3A_87 : memref<80x128xf32, #tpu.memory_space<vmem>>) target(%dma_start3A_93 : memref<10240x128xf32, #tpu.memory_space<vmem_shared>>) offsets(%dma_start3A_90 : memref<80xi32, #tpu.memory_space<vmem>>) semaphore(%run_scoped3A_83 : memref<!tpu.dma_semaphore, #tpu.memory_space<semaphore_mem>>) {add = true}
        %dma_wait3A_94 = arith.constant 0 : i32
        %dma_wait3A_95 = arith.constant 0 : i32
        %dma_wait3A_96 = tpu.memref_slice %arg9[%run_scoped3A_57, %dma_wait3A_94, %dma_wait3A_95] : memref<2x80x128xf32, #tpu.memory_space<vmem>> -> memref<1x80x128xf32, #tpu.memory_space<vmem>>
        %dma_wait3A_97 = tpu.memref_squeeze %dma_wait3A_96 : memref<1x80x128xf32, #tpu.memory_space<vmem>> -> memref<80x128xf32, #tpu.memory_space<vmem>>
        %dma_wait3A_98 = arith.constant 0 : i32
        %dma_wait3A_99 = tpu.memref_slice %arg8[%add3A_39, %dma_wait3A_98] : memref<125x80xi32, #tpu.memory_space<vmem>> -> memref<1x80xi32, #tpu.memory_space<vmem>>
        %dma_wait3A_100 = tpu.memref_squeeze %dma_wait3A_99 : memref<1x80xi32, #tpu.memory_space<vmem>> -> memref<80xi32, #tpu.memory_space<vmem>>
        %dma_wait3A_101 = arith.constant 0 : i32
        %dma_wait3A_102 = arith.constant 0 : i32
        %dma_wait3A_103 = tpu.memref_slice %arg10[%dma_wait3A_101, %dma_wait3A_102] : memref<10240x128xf32, #tpu.memory_space<vmem_shared>> -> memref<10240x128xf32, #tpu.memory_space<vmem_shared>>
        tpu.wait_indirect_dma semaphore(%run_scoped3A_83 : memref<!tpu.dma_semaphore, #tpu.memory_space<semaphore_mem>>) src(%dma_wait3A_97 : memref<80x128xf32, #tpu.memory_space<vmem>>) dst(%dma_wait3A_103 : memref<10240x128xf32, #tpu.memory_space<vmem_shared>>)
        tpu.yield
      }) : () -> ()
      %mul3A_58 = arith.constant 2 : i32
      %mul3A_59 = arith.muli %mul3A_58, %scan3A_35 : i32
      %add3A_60 = arith.constant 1 : i32
      %add3A_61 = arith.addi %mul3A_59, %add3A_60 : i32
      %dma_wait3A_62 = arith.constant 1 : i32
      %dma_wait3A_63 = arith.constant 0 : i32
      %dma_wait3A_64 = arith.constant 0 : i32
      %dma_wait3A_65 = tpu.memref_slice %arg9[%dma_wait3A_62, %dma_wait3A_63, %dma_wait3A_64] : memref<2x80x128xf32, #tpu.memory_space<vmem>> -> memref<1x80x128xf32, #tpu.memory_space<vmem>>
      %dma_wait3A_66 = tpu.memref_squeeze %dma_wait3A_65 : memref<1x80x128xf32, #tpu.memory_space<vmem>> -> memref<80x128xf32, #tpu.memory_space<vmem>>
      %dma_wait3A_67 = arith.constant 0 : i32
      %dma_wait3A_68 = arith.constant 0 : i32
      %dma_wait3A_69 = tpu.memref_slice %arg2[%dma_wait3A_67, %dma_wait3A_68] : memref<10000x128xf32, #tpu.memory_space<hbm>> -> memref<80x128xf32, #tpu.memory_space<hbm>>
      %dma_wait3A_70 = arith.constant 0 : i32
      %dma_wait3A_71 = arith.constant 0 : i32
      %dma_wait3A_72 = tpu.memref_slice %arg9[%dma_wait3A_62, %dma_wait3A_70, %dma_wait3A_71] : memref<2x80x128xf32, #tpu.memory_space<vmem>> -> memref<1x80x128xf32, #tpu.memory_space<vmem>>
      %dma_wait3A_73 = tpu.memref_squeeze %dma_wait3A_72 : memref<1x80x128xf32, #tpu.memory_space<vmem>> -> memref<80x128xf32, #tpu.memory_space<vmem>>
      %dma_wait3A_74 = arith.constant 0 : i32
      %dma_wait3A_75 = arith.constant 0 : i32
      %dma_wait3A_76 = tpu.memref_slice %arg2[%dma_wait3A_74, %dma_wait3A_75] : memref<10000x128xf32, #tpu.memory_space<hbm>> -> memref<80x128xf32, #tpu.memory_space<hbm>>
      tpu.wait_dma2 semaphore(%arg11 : memref<!tpu.dma_semaphore, #tpu.memory_space<semaphore_mem>>) src(%dma_wait3A_76 : memref<80x128xf32, #tpu.memory_space<hbm>>) dst(%dma_wait3A_73 : memref<80x128xf32, #tpu.memory_space<vmem>>)
      %lt3A_77 = arith.constant 124 : i32
      %lt3A_78 = arith.cmpi slt, %add3A_61, %lt3A_77 : i32
      %convert_element_type3A_79 = arith.extui %lt3A_78 : i1 to i32
      %cond3A_80 = arith.constant 0 : i32
      %cond3A_81 = arith.cmpi ne, %convert_element_type3A_79, %cond3A_80 : i32
      scf.if %cond3A_81 {
        %add3A_83 = arith.constant 1 : i32
        %add3A_84 = arith.addi %add3A_61, %add3A_83 : i32
        %mul3A_85 = arith.constant 80 : i32
        %mul3A_86 = arith.muli %add3A_84, %mul3A_85 : i32
        %dma_start3A_87 = arith.constant 0 : i32
        %dma_start3A_88 = arith.constant 0 : i32
        %dma_start3A_89 = arith.constant 0 : i32
        %dma_start3A_90 = tpu.memref_slice %arg9[%dma_start3A_87, %dma_start3A_88, %dma_start3A_89] : memref<2x80x128xf32, #tpu.memory_space<vmem>> -> memref<1x80x128xf32, #tpu.memory_space<vmem>>
        %dma_start3A_91 = tpu.memref_squeeze %dma_start3A_90 : memref<1x80x128xf32, #tpu.memory_space<vmem>> -> memref<80x128xf32, #tpu.memory_space<vmem>>
        %dma_start3A_92 = tpu.memref_slice %arg7[%mul3A_86] : memref<10000xi32, #tpu.memory_space<vmem>> -> memref<80xi32, #tpu.memory_space<vmem>>
        %dma_start3A_93 = arith.constant 0 : i32
        %dma_start3A_94 = arith.constant 0 : i32
        %dma_start3A_95 = tpu.memref_slice %arg2[%dma_start3A_93, %dma_start3A_94] : memref<10000x128xf32, #tpu.memory_space<hbm>> -> memref<10000x128xf32, #tpu.memory_space<hbm>>
        tpu.enqueue_indirect_dma source(%dma_start3A_95 : memref<10000x128xf32, #tpu.memory_space<hbm>>) target(%dma_start3A_91 : memref<80x128xf32, #tpu.memory_space<vmem>>) offsets(%dma_start3A_92 : memref<80xi32, #tpu.memory_space<vmem>>) semaphore(%arg11 : memref<!tpu.dma_semaphore, #tpu.memory_space<semaphore_mem>>)
      } else {
      }
      %run_scoped3A_82 = arith.constant 1 : i32
      "tpu.region"() ({
        %run_scoped3A_83 = tpu.sem_alloc : memref<!tpu.dma_semaphore, #tpu.memory_space<semaphore_mem>>
        %dma_start3A_84 = arith.constant 0 : i32
        %dma_start3A_85 = arith.constant 0 : i32
        %dma_start3A_86 = tpu.memref_slice %arg9[%run_scoped3A_82, %dma_start3A_84, %dma_start3A_85] : memref<2x80x128xf32, #tpu.memory_space<vmem>> -> memref<1x80x128xf32, #tpu.memory_space<vmem>>
        %dma_start3A_87 = tpu.memref_squeeze %dma_start3A_86 : memref<1x80x128xf32, #tpu.memory_space<vmem>> -> memref<80x128xf32, #tpu.memory_space<vmem>>
        %dma_start3A_88 = arith.constant 0 : i32
        %dma_start3A_89 = tpu.memref_slice %arg8[%add3A_61, %dma_start3A_88] : memref<125x80xi32, #tpu.memory_space<vmem>> -> memref<1x80xi32, #tpu.memory_space<vmem>>
        %dma_start3A_90 = tpu.memref_squeeze %dma_start3A_89 : memref<1x80xi32, #tpu.memory_space<vmem>> -> memref<80xi32, #tpu.memory_space<vmem>>
        %dma_start3A_91 = arith.constant 0 : i32
        %dma_start3A_92 = arith.constant 0 : i32
        %dma_start3A_93 = tpu.memref_slice %arg10[%dma_start3A_91, %dma_start3A_92] : memref<10240x128xf32, #tpu.memory_space<vmem_shared>> -> memref<10240x128xf32, #tpu.memory_space<vmem_shared>>
        tpu.enqueue_indirect_dma source(%dma_start3A_87 : memref<80x128xf32, #tpu.memory_space<vmem>>) target(%dma_start3A_93 : memref<10240x128xf32, #tpu.memory_space<vmem_shared>>) offsets(%dma_start3A_90 : memref<80xi32, #tpu.memory_space<vmem>>) semaphore(%run_scoped3A_83 : memref<!tpu.dma_semaphore, #tpu.memory_space<semaphore_mem>>) {add = true}
        %dma_wait3A_94 = arith.constant 0 : i32
        %dma_wait3A_95 = arith.constant 0 : i32
        %dma_wait3A_96 = tpu.memref_slice %arg9[%run_scoped3A_82, %dma_wait3A_94, %dma_wait3A_95] : memref<2x80x128xf32, #tpu.memory_space<vmem>> -> memref<1x80x128xf32, #tpu.memory_space<vmem>>
        %dma_wait3A_97 = tpu.memref_squeeze %dma_wait3A_96 : memref<1x80x128xf32, #tpu.memory_space<vmem>> -> memref<80x128xf32, #tpu.memory_space<vmem>>
        %dma_wait3A_98 = arith.constant 0 : i32
        %dma_wait3A_99 = tpu.memref_slice %arg8[%add3A_61, %dma_wait3A_98] : memref<125x80xi32, #tpu.memory_space<vmem>> -> memref<1x80xi32, #tpu.memory_space<vmem>>
        %dma_wait3A_100 = tpu.memref_squeeze %dma_wait3A_99 : memref<1x80xi32, #tpu.memory_space<vmem>> -> memref<80xi32, #tpu.memory_space<vmem>>
        %dma_wait3A_101 = arith.constant 0 : i32
        %dma_wait3A_102 = arith.constant 0 : i32
        %dma_wait3A_103 = tpu.memref_slice %arg10[%dma_wait3A_101, %dma_wait3A_102] : memref<10240x128xf32, #tpu.memory_space<vmem_shared>> -> memref<10240x128xf32, #tpu.memory_space<vmem_shared>>
        tpu.wait_indirect_dma semaphore(%run_scoped3A_83 : memref<!tpu.dma_semaphore, #tpu.memory_space<semaphore_mem>>) src(%dma_wait3A_97 : memref<80x128xf32, #tpu.memory_space<vmem>>) dst(%dma_wait3A_103 : memref<10240x128xf32, #tpu.memory_space<vmem_shared>>)
        tpu.yield
      }) : () -> ()
    }
    %scan3A_18 = arith.constant 62 : i32
    %dma_wait3A = arith.constant 0 : i32
    %dma_wait3A_19 = arith.constant 0 : i32
    %dma_wait3A_20 = arith.constant 0 : i32
    %dma_wait3A_21 = tpu.memref_slice %arg9[%dma_wait3A, %dma_wait3A_19, %dma_wait3A_20] : memref<2x80x128xf32, #tpu.memory_space<vmem>> -> memref<1x80x128xf32, #tpu.memory_space<vmem>>
    %dma_wait3A_22 = tpu.memref_squeeze %dma_wait3A_21 : memref<1x80x128xf32, #tpu.memory_space<vmem>> -> memref<80x128xf32, #tpu.memory_space<vmem>>
    %dma_wait3A_23 = arith.constant 0 : i32
    %dma_wait3A_24 = arith.constant 0 : i32
    %dma_wait3A_25 = tpu.memref_slice %arg2[%dma_wait3A_23, %dma_wait3A_24] : memref<10000x128xf32, #tpu.memory_space<hbm>> -> memref<80x128xf32, #tpu.memory_space<hbm>>
    %dma_wait3A_26 = arith.constant 0 : i32
    %dma_wait3A_27 = arith.constant 0 : i32
    %dma_wait3A_28 = tpu.memref_slice %arg9[%dma_wait3A, %dma_wait3A_26, %dma_wait3A_27] : memref<2x80x128xf32, #tpu.memory_space<vmem>> -> memref<1x80x128xf32, #tpu.memory_space<vmem>>
    %dma_wait3A_29 = tpu.memref_squeeze %dma_wait3A_28 : memref<1x80x128xf32, #tpu.memory_space<vmem>> -> memref<80x128xf32, #tpu.memory_space<vmem>>
    %dma_wait3A_30 = arith.constant 0 : i32
    %dma_wait3A_31 = arith.constant 0 : i32
    %dma_wait3A_32 = tpu.memref_slice %arg2[%dma_wait3A_30, %dma_wait3A_31] : memref<10000x128xf32, #tpu.memory_space<hbm>> -> memref<80x128xf32, #tpu.memory_space<hbm>>
    tpu.wait_dma2 semaphore(%arg11 : memref<!tpu.dma_semaphore, #tpu.memory_space<semaphore_mem>>) src(%dma_wait3A_32 : memref<80x128xf32, #tpu.memory_space<hbm>>) dst(%dma_wait3A_29 : memref<80x128xf32, #tpu.memory_space<vmem>>)
    %run_scoped3A = arith.constant 0 : i32
    %run_scoped3A_33 = arith.constant 124 : i32
    "tpu.region"() ({
      %run_scoped3A_35 = tpu.sem_alloc : memref<!tpu.dma_semaphore, #tpu.memory_space<semaphore_mem>>
      %dma_start3A_36 = arith.constant 0 : i32
      %dma_start3A_37 = arith.constant 0 : i32
      %dma_start3A_38 = tpu.memref_slice %arg9[%run_scoped3A, %dma_start3A_36, %dma_start3A_37] : memref<2x80x128xf32, #tpu.memory_space<vmem>> -> memref<1x80x128xf32, #tpu.memory_space<vmem>>
      %dma_start3A_39 = tpu.memref_squeeze %dma_start3A_38 : memref<1x80x128xf32, #tpu.memory_space<vmem>> -> memref<80x128xf32, #tpu.memory_space<vmem>>
      %dma_start3A_40 = arith.constant 0 : i32
      %dma_start3A_41 = tpu.memref_slice %arg8[%run_scoped3A_33, %dma_start3A_40] : memref<125x80xi32, #tpu.memory_space<vmem>> -> memref<1x80xi32, #tpu.memory_space<vmem>>
      %dma_start3A_42 = tpu.memref_squeeze %dma_start3A_41 : memref<1x80xi32, #tpu.memory_space<vmem>> -> memref<80xi32, #tpu.memory_space<vmem>>
      %dma_start3A_43 = arith.constant 0 : i32
      %dma_start3A_44 = arith.constant 0 : i32
      %dma_start3A_45 = tpu.memref_slice %arg10[%dma_start3A_43, %dma_start3A_44] : memref<10240x128xf32, #tpu.memory_space<vmem_shared>> -> memref<10240x128xf32, #tpu.memory_space<vmem_shared>>
      tpu.enqueue_indirect_dma source(%dma_start3A_39 : memref<80x128xf32, #tpu.memory_space<vmem>>) target(%dma_start3A_45 : memref<10240x128xf32, #tpu.memory_space<vmem_shared>>) offsets(%dma_start3A_42 : memref<80xi32, #tpu.memory_space<vmem>>) semaphore(%run_scoped3A_35 : memref<!tpu.dma_semaphore, #tpu.memory_space<semaphore_mem>>) {add = true}
      %dma_wait3A_46 = arith.constant 0 : i32
      %dma_wait3A_47 = arith.constant 0 : i32
      %dma_wait3A_48 = tpu.memref_slice %arg9[%run_scoped3A, %dma_wait3A_46, %dma_wait3A_47] : memref<2x80x128xf32, #tpu.memory_space<vmem>> -> memref<1x80x128xf32, #tpu.memory_space<vmem>>
      %dma_wait3A_49 = tpu.memref_squeeze %dma_wait3A_48 : memref<1x80x128xf32, #tpu.memory_space<vmem>> -> memref<80x128xf32, #tpu.memory_space<vmem>>
      %dma_wait3A_50 = arith.constant 0 : i32
      %dma_wait3A_51 = tpu.memref_slice %arg8[%run_scoped3A_33, %dma_wait3A_50] : memref<125x80xi32, #tpu.memory_space<vmem>> -> memref<1x80xi32, #tpu.memory_space<vmem>>
      %dma_wait3A_52 = tpu.memref_squeeze %dma_wait3A_51 : memref<1x80xi32, #tpu.memory_space<vmem>> -> memref<80xi32, #tpu.memory_space<vmem>>
      %dma_wait3A_53 = arith.constant 0 : i32
      %dma_wait3A_54 = arith.constant 0 : i32
      %dma_wait3A_55 = tpu.memref_slice %arg10[%dma_wait3A_53, %dma_wait3A_54] : memref<10240x128xf32, #tpu.memory_space<vmem_shared>> -> memref<10240x128xf32, #tpu.memory_space<vmem_shared>>
      tpu.wait_indirect_dma semaphore(%run_scoped3A_35 : memref<!tpu.dma_semaphore, #tpu.memory_space<semaphore_mem>>) src(%dma_wait3A_49 : memref<80x128xf32, #tpu.memory_space<vmem>>) dst(%dma_wait3A_55 : memref<10240x128xf32, #tpu.memory_space<vmem_shared>>)
      tpu.yield
    }) : () -> ()
    %barrier3A_34 = arith.constant 0 : index
    tpu.barrier barrier_id(%barrier3A_34)
    "tpu.region"() ({
      %run_scoped3A_35 = tpu.sem_alloc : memref<!tpu.dma_semaphore, #tpu.memory_space<semaphore_mem>>
      %dma_start3A_36 = arith.constant 0 : i32
      %dma_start3A_37 = tpu.memref_slice %arg6[%arg0, %mul3A_2, %dma_start3A_36] : memref<2x10240x128xf32, #tpu.memory_space<hbm>> -> memref<1x640x128xf32, #tpu.memory_space<hbm>>
      %dma_start3A_38 = tpu.memref_squeeze %dma_start3A_37 : memref<1x640x128xf32, #tpu.memory_space<hbm>> -> memref<640x128xf32, #tpu.memory_space<hbm>>
      %dma_start3A_39 = arith.constant 0 : i32
      %dma_start3A_40 = tpu.memref_slice %arg10[%mul3A_2, %dma_start3A_39] : memref<10240x128xf32, #tpu.memory_space<vmem_shared>> -> memref<640x128xf32, #tpu.memory_space<vmem_shared>>
      tpu.enqueue_dma source(%dma_start3A_40 : memref<640x128xf32, #tpu.memory_space<vmem_shared>>) target(%dma_start3A_38 : memref<640x128xf32, #tpu.memory_space<hbm>>) target_semaphore(%run_scoped3A_35 : memref<!tpu.dma_semaphore, #tpu.memory_space<semaphore_mem>>)
      %dma_wait3A_41 = arith.constant 0 : i32
      %dma_wait3A_42 = tpu.memref_slice %arg6[%arg0, %mul3A_2, %dma_wait3A_41] : memref<2x10240x128xf32, #tpu.memory_space<hbm>> -> memref<1x640x128xf32, #tpu.memory_space<hbm>>
      %dma_wait3A_43 = tpu.memref_squeeze %dma_wait3A_42 : memref<1x640x128xf32, #tpu.memory_space<hbm>> -> memref<640x128xf32, #tpu.memory_space<hbm>>
      %dma_wait3A_44 = arith.constant 0 : i32
      %dma_wait3A_45 = tpu.memref_slice %arg10[%mul3A_2, %dma_wait3A_44] : memref<10240x128xf32, #tpu.memory_space<vmem_shared>> -> memref<640x128xf32, #tpu.memory_space<vmem_shared>>
      tpu.wait_dma2 semaphore(%run_scoped3A_35 : memref<!tpu.dma_semaphore, #tpu.memory_space<semaphore_mem>>) src(%dma_wait3A_45 : memref<640x128xf32, #tpu.memory_space<vmem_shared>>) dst(%dma_wait3A_43 : memref<640x128xf32, #tpu.memory_space<hbm>>)
      tpu.yield
    }) : () -> ()
    return
  }
}

module attributes {stable_mosaic.version = 14 : i64} {
  func.func @tc_sage_linear(%arg0: i32, %arg1: memref<2x1000x128xf32, #tpu.memory_space<vmem>>, %arg2: memref<1000x2xf32, #tpu.memory_space<vmem>>, %arg3: memref<1000x128xf32, #tpu.memory_space<vmem>>, %arg4: memref<128x128xf32, #tpu.memory_space<vmem>>, %arg5: memref<128x128xf32, #tpu.memory_space<vmem>>, %arg6: memref<1x128xf32, #tpu.memory_space<vmem>>, %arg7: memref<1000x128xf32, #tpu.memory_space<vmem>>) attributes {dimension_semantics = [#tpu.dimension_semantics<arbitrary>], iteration_bounds = array<i64: 10>, scalar_prefetch = 0 : i64, scratch_operands = 0 : i64, tpu.core_type = #tpu.core_type<tc>, window_params = [{transform_indices = @transform_0, window_bounds = array<i64: 2, 1000, 128>}, {transform_indices = @transform_1, window_bounds = array<i64: 1000, 2>}, {transform_indices = @transform_2, window_bounds = array<i64: 1000, 128>}, {pipeline_mode = #tpu.pipeline_mode<synchronous>, transform_indices = @transform_3, window_bounds = array<i64: 128, 128>}, {pipeline_mode = #tpu.pipeline_mode<synchronous>, transform_indices = @transform_4, window_bounds = array<i64: 128, 128>}, {pipeline_mode = #tpu.pipeline_mode<synchronous>, transform_indices = @transform_5, window_bounds = array<i64: 1, 128>}, {transform_indices = @transform_6, window_bounds = array<i64: 1000, 128>}]} {
    %get3A = arith.constant 0 : index
    %get3A_0 = arith.constant 0 : index
    %get3A_1 = arith.constant 0 : index
    %get3A_2 = vector.load %arg1[%get3A, %get3A_0, %get3A_1] : memref<2x1000x128xf32, #tpu.memory_space<vmem>>, vector<2x1000x128xf32>
    %get3A_3 = arith.constant 0 : index
    %get3A_4 = arith.constant 0 : index
    %get3A_5 = vector.load %arg2[%get3A_3, %get3A_4] : memref<1000x2xf32, #tpu.memory_space<vmem>>, vector<1000x2xf32>
    %slice3A = vector.extract_strided_slice %get3A_5 {offsets = [0, 0], sizes = [1000, 1], strides = [1, 1]} : vector<1000x2xf32> to vector<1000x1xf32>
    %slice3A_6 = vector.extract_strided_slice %get3A_5 {offsets = [0, 1], sizes = [1000, 1], strides = [1, 1]} : vector<1000x2xf32> to vector<1000x1xf32>
    %add3A = arith.addf %slice3A, %slice3A_6 : vector<1000x1xf32>
    %max3A = arith.constant 1.000000e+00 : f32
    %max3A_7 = vector.broadcast %max3A : f32 to vector<1000x1xf32>
    %max3A_8 = arith.maximumf %add3A, %max3A_7 : vector<1000x1xf32>
    %div3A = arith.constant 1.000000e+00 : f32
    %div3A_9 = vector.broadcast %div3A : f32 to vector<1000x1xf32>
    %div3A_10 = arith.divf %div3A_9, %max3A_8 : vector<1000x1xf32>
    %slice3A_11 = vector.extract_strided_slice %get3A_2 {offsets = [0, 0, 0], sizes = [1, 1000, 128], strides = [1, 1, 1]} : vector<2x1000x128xf32> to vector<1x1000x128xf32>
    %squeeze3A = vector.shape_cast %slice3A_11 : vector<1x1000x128xf32> to vector<1000x128xf32>
    %slice3A_12 = vector.extract_strided_slice %get3A_2 {offsets = [1, 0, 0], sizes = [1, 1000, 128], strides = [1, 1, 1]} : vector<2x1000x128xf32> to vector<1x1000x128xf32>
    %squeeze3A_13 = vector.shape_cast %slice3A_12 : vector<1x1000x128xf32> to vector<1000x128xf32>
    %add3A_14 = arith.addf %squeeze3A, %squeeze3A_13 : vector<1000x128xf32>
    %mul3A = vector.broadcast %div3A_10 : vector<1000x1xf32> to vector<1000x128xf32>
    %mul3A_15 = arith.mulf %add3A_14, %mul3A : vector<1000x128xf32>
    %get3A_16 = arith.constant 0 : index
    %get3A_17 = arith.constant 0 : index
    %get3A_18 = vector.load %arg4[%get3A_16, %get3A_17] : memref<128x128xf32, #tpu.memory_space<vmem>>, vector<128x128xf32>
    %dot_general3A = arith.constant dense<0.000000e+00> : vector<1000x128xf32>
    %dot_general3A_19 = tpu.matmul %mul3A_15, %get3A_18, %dot_general3A {dimension_numbers = #tpu.dot_dimension_numbers<[1], [0], [0], [1], [0, 0, 1, 1], [], []>, transpose_lhs_hint = false} : vector<1000x128xf32>, vector<128x128xf32>, vector<1000x128xf32> -> vector<1000x128xf32>
    %get3A_20 = arith.constant 0 : index
    %get3A_21 = arith.constant 0 : index
    %get3A_22 = vector.load %arg3[%get3A_20, %get3A_21] : memref<1000x128xf32, #tpu.memory_space<vmem>>, vector<1000x128xf32>
    %get3A_23 = arith.constant 0 : index
    %get3A_24 = arith.constant 0 : index
    %get3A_25 = vector.load %arg5[%get3A_23, %get3A_24] : memref<128x128xf32, #tpu.memory_space<vmem>>, vector<128x128xf32>
    %dot_general3A_26 = arith.constant dense<0.000000e+00> : vector<1000x128xf32>
    %dot_general3A_27 = tpu.matmul %get3A_22, %get3A_25, %dot_general3A_26 {dimension_numbers = #tpu.dot_dimension_numbers<[1], [0], [0], [1], [0, 0, 1, 1], [], []>, transpose_lhs_hint = false} : vector<1000x128xf32>, vector<128x128xf32>, vector<1000x128xf32> -> vector<1000x128xf32>
    %add3A_28 = arith.addf %dot_general3A_19, %dot_general3A_27 : vector<1000x128xf32>
    %get3A_29 = arith.constant 0 : index
    %get3A_30 = arith.constant 0 : index
    %get3A_31 = vector.load %arg6[%get3A_29, %get3A_30] : memref<1x128xf32, #tpu.memory_space<vmem>>, vector<1x128xf32>
    %add3A_32 = vector.broadcast %get3A_31 : vector<1x128xf32> to vector<1000x128xf32>
    %add3A_33 = arith.addf %add3A_28, %add3A_32 : vector<1000x128xf32>
    %max3A_34 = arith.constant 0.000000e+00 : f32
    %max3A_35 = vector.broadcast %max3A_34 : f32 to vector<1000x128xf32>
    %max3A_36 = arith.maximumf %add3A_33, %max3A_35 : vector<1000x128xf32>
    %swap3A = arith.constant 0 : index
    %swap3A_37 = arith.constant 0 : index
    %swap3A_38 = vector.load %arg7[%swap3A, %swap3A_37] : memref<1000x128xf32, #tpu.memory_space<vmem>>, vector<1000x128xf32>
    tpu.vector_store %arg7[%swap3A, %swap3A_37], %max3A_36 {strides = array<i32>} : memref<1000x128xf32, #tpu.memory_space<vmem>>, vector<1000x128xf32>,
    return
  }
  func.func @transform_0(%arg0: i32) -> (i32, i32, i32) {
    %c0_i32 = arith.constant 0 : i32
    %c0_i32_0 = arith.constant 0 : i32
    %c0_i32_1 = arith.constant 0 : i32
    return %c0_i32, %arg0, %c0_i32_0 : i32, i32, i32
  }
  func.func @transform_1(%arg0: i32) -> (i32, i32) {
    %c0_i32 = arith.constant 0 : i32
    %c0_i32_0 = arith.constant 0 : i32
    return %arg0, %c0_i32 : i32, i32
  }
  func.func @transform_2(%arg0: i32) -> (i32, i32) {
    %c0_i32 = arith.constant 0 : i32
    %c0_i32_0 = arith.constant 0 : i32
    return %arg0, %c0_i32 : i32, i32
  }
  func.func @transform_3(%arg0: i32) -> (i32, i32) {
    %c0_i32 = arith.constant 0 : i32
    %c0_i32_0 = arith.constant 0 : i32
    %c0_i32_1 = arith.constant 0 : i32
    return %c0_i32, %c0_i32_0 : i32, i32
  }
  func.func @transform_4(%arg0: i32) -> (i32, i32) {
    %c0_i32 = arith.constant 0 : i32
    %c0_i32_0 = arith.constant 0 : i32
    %c0_i32_1 = arith.constant 0 : i32
    return %c0_i32, %c0_i32_0 : i32, i32
  }
  func.func @transform_5(%arg0: i32) -> (i32, i32) {
    %c0_i32 = arith.constant 0 : i32
    %c0_i32_0 = arith.constant 0 : i32
    %c0_i32_1 = arith.constant 0 : i32
    return %c0_i32, %c0_i32_0 : i32, i32
  }
  func.func @transform_6(%arg0: i32) -> (i32, i32) {
    %c0_i32 = arith.constant 0 : i32
    %c0_i32_0 = arith.constant 0 : i32
    return %arg0, %c0_i32 : i32, i32
  }
}

module attributes {stable_mosaic.version = 14 : i64} {
  func.func @tc_sage_linear(%arg0: i32, %arg1: memref<2x1000x128xf32, #tpu.memory_space<vmem>>, %arg2: memref<1000x2xf32, #tpu.memory_space<vmem>>, %arg3: memref<1000x128xf32, #tpu.memory_space<vmem>>, %arg4: memref<128x128xf32, #tpu.memory_space<vmem>>, %arg5: memref<128x128xf32, #tpu.memory_space<vmem>>, %arg6: memref<1x128xf32, #tpu.memory_space<vmem>>, %arg7: memref<1000x128xf32, #tpu.memory_space<vmem>>) attributes {dimension_semantics = [#tpu.dimension_semantics<arbitrary>], iteration_bounds = array<i64: 10>, scalar_prefetch = 0 : i64, scratch_operands = 0 : i64, tpu.core_type = #tpu.core_type<tc>, window_params = [{transform_indices = @transform_0, window_bounds = array<i64: 2, 1000, 128>}, {transform_indices = @transform_1, window_bounds = array<i64: 1000, 2>}, {transform_indices = @transform_2, window_bounds = array<i64: 1000, 128>}, {pipeline_mode = #tpu.pipeline_mode<synchronous>, transform_indices = @transform_3, window_bounds = array<i64: 128, 128>}, {pipeline_mode = #tpu.pipeline_mode<synchronous>, transform_indices = @transform_4, window_bounds = array<i64: 128, 128>}, {pipeline_mode = #tpu.pipeline_mode<synchronous>, transform_indices = @transform_5, window_bounds = array<i64: 1, 128>}, {transform_indices = @transform_6, window_bounds = array<i64: 1000, 128>}]} {
    %get3A = arith.constant 0 : index
    %get3A_0 = arith.constant 0 : index
    %get3A_1 = arith.constant 0 : index
    %get3A_2 = vector.load %arg1[%get3A, %get3A_0, %get3A_1] : memref<2x1000x128xf32, #tpu.memory_space<vmem>>, vector<2x1000x128xf32>
    %get3A_3 = arith.constant 0 : index
    %get3A_4 = arith.constant 0 : index
    %get3A_5 = vector.load %arg2[%get3A_3, %get3A_4] : memref<1000x2xf32, #tpu.memory_space<vmem>>, vector<1000x2xf32>
    %slice3A = vector.extract_strided_slice %get3A_5 {offsets = [0, 0], sizes = [1000, 1], strides = [1, 1]} : vector<1000x2xf32> to vector<1000x1xf32>
    %slice3A_6 = vector.extract_strided_slice %get3A_5 {offsets = [0, 1], sizes = [1000, 1], strides = [1, 1]} : vector<1000x2xf32> to vector<1000x1xf32>
    %add3A = arith.addf %slice3A, %slice3A_6 : vector<1000x1xf32>
    %max3A = arith.constant 1.000000e+00 : f32
    %max3A_7 = vector.broadcast %max3A : f32 to vector<1000x1xf32>
    %max3A_8 = arith.maximumf %add3A, %max3A_7 : vector<1000x1xf32>
    %div3A = arith.constant 1.000000e+00 : f32
    %div3A_9 = vector.broadcast %div3A : f32 to vector<1000x1xf32>
    %div3A_10 = arith.divf %div3A_9, %max3A_8 : vector<1000x1xf32>
    %slice3A_11 = vector.extract_strided_slice %get3A_2 {offsets = [0, 0, 0], sizes = [1, 1000, 128], strides = [1, 1, 1]} : vector<2x1000x128xf32> to vector<1x1000x128xf32>
    %squeeze3A = vector.shape_cast %slice3A_11 : vector<1x1000x128xf32> to vector<1000x128xf32>
    %slice3A_12 = vector.extract_strided_slice %get3A_2 {offsets = [1, 0, 0], sizes = [1, 1000, 128], strides = [1, 1, 1]} : vector<2x1000x128xf32> to vector<1x1000x128xf32>
    %squeeze3A_13 = vector.shape_cast %slice3A_12 : vector<1x1000x128xf32> to vector<1000x128xf32>
    %add3A_14 = arith.addf %squeeze3A, %squeeze3A_13 : vector<1000x128xf32>
    %mul3A = vector.broadcast %div3A_10 : vector<1000x1xf32> to vector<1000x128xf32>
    %mul3A_15 = arith.mulf %add3A_14, %mul3A : vector<1000x128xf32>
    %get3A_16 = arith.constant 0 : index
    %get3A_17 = arith.constant 0 : index
    %get3A_18 = vector.load %arg4[%get3A_16, %get3A_17] : memref<128x128xf32, #tpu.memory_space<vmem>>, vector<128x128xf32>
    %dot_general3A = arith.constant dense<0.000000e+00> : vector<1000x128xf32>
    %dot_general3A_19 = tpu.matmul %mul3A_15, %get3A_18, %dot_general3A {dimension_numbers = #tpu.dot_dimension_numbers<[1], [0], [0], [1], [0, 0, 1, 1], [], []>, transpose_lhs_hint = false} : vector<1000x128xf32>, vector<128x128xf32>, vector<1000x128xf32> -> vector<1000x128xf32>
    %get3A_20 = arith.constant 0 : index
    %get3A_21 = arith.constant 0 : index
    %get3A_22 = vector.load %arg3[%get3A_20, %get3A_21] : memref<1000x128xf32, #tpu.memory_space<vmem>>, vector<1000x128xf32>
    %get3A_23 = arith.constant 0 : index
    %get3A_24 = arith.constant 0 : index
    %get3A_25 = vector.load %arg5[%get3A_23, %get3A_24] : memref<128x128xf32, #tpu.memory_space<vmem>>, vector<128x128xf32>
    %dot_general3A_26 = arith.constant dense<0.000000e+00> : vector<1000x128xf32>
    %dot_general3A_27 = tpu.matmul %get3A_22, %get3A_25, %dot_general3A_26 {dimension_numbers = #tpu.dot_dimension_numbers<[1], [0], [0], [1], [0, 0, 1, 1], [], []>, transpose_lhs_hint = false} : vector<1000x128xf32>, vector<128x128xf32>, vector<1000x128xf32> -> vector<1000x128xf32>
    %add3A_28 = arith.addf %dot_general3A_19, %dot_general3A_27 : vector<1000x128xf32>
    %get3A_29 = arith.constant 0 : index
    %get3A_30 = arith.constant 0 : index
    %get3A_31 = vector.load %arg6[%get3A_29, %get3A_30] : memref<1x128xf32, #tpu.memory_space<vmem>>, vector<1x128xf32>
    %add3A_32 = vector.broadcast %get3A_31 : vector<1x128xf32> to vector<1000x128xf32>
    %add3A_33 = arith.addf %add3A_28, %add3A_32 : vector<1000x128xf32>
    %swap3A = arith.constant 0 : index
    %swap3A_34 = arith.constant 0 : index
    %swap3A_35 = vector.load %arg7[%swap3A, %swap3A_34] : memref<1000x128xf32, #tpu.memory_space<vmem>>, vector<1000x128xf32>
    tpu.vector_store %arg7[%swap3A, %swap3A_34], %add3A_33 {strides = array<i32>} : memref<1000x128xf32, #tpu.memory_space<vmem>>, vector<1000x128xf32>,
    return
  }
  func.func @transform_0(%arg0: i32) -> (i32, i32, i32) {
    %c0_i32 = arith.constant 0 : i32
    %c0_i32_0 = arith.constant 0 : i32
    %c0_i32_1 = arith.constant 0 : i32
    return %c0_i32, %arg0, %c0_i32_0 : i32, i32, i32
  }
  func.func @transform_1(%arg0: i32) -> (i32, i32) {
    %c0_i32 = arith.constant 0 : i32
    %c0_i32_0 = arith.constant 0 : i32
    return %arg0, %c0_i32 : i32, i32
  }
  func.func @transform_2(%arg0: i32) -> (i32, i32) {
    %c0_i32 = arith.constant 0 : i32
    %c0_i32_0 = arith.constant 0 : i32
    return %arg0, %c0_i32 : i32, i32
  }
  func.func @transform_3(%arg0: i32) -> (i32, i32) {
    %c0_i32 = arith.constant 0 : i32
    %c0_i32_0 = arith.constant 0 : i32
    %c0_i32_1 = arith.constant 0 : i32
    return %c0_i32, %c0_i32_0 : i32, i32
  }
  func.func @transform_4(%arg0: i32) -> (i32, i32) {
    %c0_i32 = arith.constant 0 : i32
    %c0_i32_0 = arith.constant 0 : i32
    %c0_i32_1 = arith.constant 0 : i32
    return %c0_i32, %c0_i32_0 : i32, i32
  }
  func.func @transform_5(%arg0: i32) -> (i32, i32) {
    %c0_i32 = arith.constant 0 : i32
    %c0_i32_0 = arith.constant 0 : i32
    %c0_i32_1 = arith.constant 0 : i32
    return %c0_i32, %c0_i32_0 : i32, i32
  }
  func.func @transform_6(%arg0: i32) -> (i32, i32) {
    %c0_i32 = arith.constant 0 : i32
    %c0_i32_0 = arith.constant 0 : i32
    return %arg0, %c0_i32 : i32, i32
  }
}

</mosaic_0001>

<sc_bundles>
// kernel: sc_seg_agg.11.cloned.1.call-start
scs
__scs_entry_jumppad:
0x0: {  	(pc) =	sbr.rel $0x88, $3  }
0x1: {  	(tag) =	ssettag $0x0;
	lr =	simm.s32 $0x1  }
0x2: {  	[smem:$0x3F93] =	sst lr;
	_ =	strace $0xD0000000  }
0x3: {  	_ = 	snop  }
0x4: {  	_ = 	snop  }
0x5: {  	_ = 	snop  }
0x6: {  	_ = 	snop  }
0x7: {  	_ = 	snop  }
__scs_overlays_trampoline_lowered:
0x8: {  	[smem:$0x3FA2] =	sst s0  }
0x9: {  	[smem:$0x3FA3] =	sst s1  }
0xa: {  	[smem:$0x3FA4] =	sst s2  }
0xb: {  	[smem:$0x3FA5] =	sst s3  }
0xc: {  	[smem:$0x3FA6] =	sst s4  }
0xd: {  	[smem:$0x3FA7] =	sst s5  }
0xe: {  	[smem:$0x3FA8] =	sst s6  }
0xf: {  	[smem:$0x3FA9] =	sst s7  }
0x10: {  	[smem:$0x3FAA] =	sst s8  }
0x11: {  	[smem:$0x3FAB] =	sst s9;
	s0 =	simm.s32 @!p0 $0x0  }
0x12: {  	s1 =	sld [smem:$0x3F91];
	s0 =	simm.s32 @p0 $0x1  }
0x13: {  	[smem:$0x3FAC] =	sst s0;
	s0 =	simm.s32 @!p1 $0x0  }
0x14: {  	s2 =	sld [smem:$0x3F90];
	s0 =	simm.s32 @p1 $0x1  }
0x15: {  	[smem:$0x3FAD] =	sst s0;
	s0 =	simm.s32 @!p2 $0x0  }
0x16: {  	s3 =	sld [smem:$0x3FDB];
	s0 =	simm.s32 @p2 $0x1  }
0x17: {  	s4 =	simm.s32 $0x1BF5;
	[smem:$0x3FAF] =	sst s0  }
0x18: {  	s0 =	sld [smem:$0x3F92];
	_ =	swait.ge [sflag:s4], $0x0  }
0x19: {  	s7 =	sld [smem:$0x3F93]  }
0x1a: {  	s8 =	sadd.s32 $0xFFFFE003, lr  }
0x1b: {  	s9 =	sadd.s32 $0xFFFFFEF7, lr;
	s5 =	simm.s32 $0xFFFFFFFF;
	p2 =	slt.u32 s8, $0xFFFFF086  }
0x1c: {  	p1 =	slt.u32 s9, $0xF7A;
	s5 =	simm.s32 @!p2 $0x0  }
0x1d: {  	s5 =	simm.s32 @p1 $0x1;
	p0 =	seq.s32 s7, s2  }
0x1e: {  	s7 =	smul.u32 @!p0 $0xF7A, s2;
	p2 =	seq.s32 @!p0 s5, $0x0  }
0x1f: {  	s9 =	smul.u32 $0xF7A, s1;
	s8 =	simm.s32 @!p0 $0x1BF5;
	p2 =	por !p2, p0  }
0x20: {  	[sflag:s8] =	ssyncset.s32 @!p0 $0xFFFFF086;
	s6 =	sadd.s32 @!p0 s3, s7;
	s7 =	simm.s32 @!p0 $0x108  }
0x21: {  	s3 =	sadd.s32 s3, s9;
	s6 =	sadd.s32 @!p0 $0x88, s6;
	s7 =	simm.s32 @p2 $0x1082  }
0x22: {  	[simem:s7], [sflag:s8] =	dma.local @!p0 [hbm:s6], $0xF7A  }
0x23: {  	s9 =	sor.u32 $0xD0000000, s2;
	s6 =	simm.s32 $0x108;
	_ =	swait.ge @!p0 [sflag:s8], $0x0  }
0x24: {  	s3 =	sadd.s32 $0x88, s3;
	s6 =	simm.s32 @!p1 $0x1082;
	[sflag:s4] =	ssyncset.s32 $0xFFFFF086  }
0x25: {  	[simem:s6], [sflag:s4] =	dma.local [hbm:s3], $0xF7A  }
0x26: {  	[smem:$0x3F93] =	sst s1;
	(tag) =	ssettag s2;
	_ =	strace s9  }
0x27: {  	s1 =	sld [smem:$0x3FA3]  }
0x28: {  	s2 =	sld [smem:$0x3FA4]  }
0x29: {  	s4 =	sld [smem:$0x3FA6]  }
0x2a: {  	p0 =	seq.s32 s5, $0x0;
	s5 =	sld [smem:$0x3FA7]  }
0x2b: {  	s6 =	sld [smem:$0x3FA8]  }
0x2c: {  	s7 =	sld [smem:$0x3FA9]  }
0x2d: {  	s3 =	simm.s32 $0x108;
	s8 =	sld [smem:$0x3FAA]  }
0x2e: {  	s3 =	simm.s32 @!p0 $0x1082;
	s9 =	sld [smem:$0x3FAB]  }
0x2f: {  	lr =	sadd.s32 s0, s3;
	s0 =	sld [smem:$0x3FA2]  }
0x30: {  	s3 =	sld [smem:$0x3FA5]  }
0x31: {  	[smem:$0x3FAE] =	sst s10  }
0x32: {  	s10 =	sld [smem:$0x3FAC];
	_ =	sdelay $0x3  }
0x33: {  	p0 =	seq.s32 s10, $0x1;
	s10 =	sld [smem:$0x3FAE];
	_ =	sdelay $0x3  }
0x34: {  	[smem:$0x3FAE] =	sst s10  }
0x35: {  	s10 =	sld [smem:$0x3FAD];
	_ =	sdelay $0x3  }
0x36: {  	p1 =	seq.s32 s10, $0x1;
	s10 =	sld [smem:$0x3FAE];
	_ =	sdelay $0x3  }
0x37: {  	[smem:$0x3FAE] =	sst s10  }
0x38: {  	s10 =	sld [smem:$0x3FAF]  }
0x39: {  	_ = 	snop;
	(pc) =	sbr.ind lr, $3  }
0x3a: {  	_ = 	snop  }
0x3b: {  	_ = 	snop  }
0x3c: {  	p2 =	seq.s32 s10, $0x1;
	s10 =	sld [smem:$0x3FAE]  }
0x3d: {  	_ =	shalt  }
0x3e: {  	_ =	shalt  }
0x3f: {  	_ =	shalt  }
0x40: {  	_ =	shalt  }
0x41: {  	_ =	shalt  }
0x42: {  	_ =	shalt  }
0x43: {  	_ =	shalt  }
0x44: {  	_ =	shalt  }
0x45: {  	_ =	shalt  }
0x46: {  	_ =	shalt  }
0x47: {  	_ =	shalt  }
0x48: {  	_ =	shalt  }
0x49: {  	_ =	shalt  }
0x4a: {  	_ =	shalt  }
0x4b: {  	_ =	shalt  }
0x4c: {  	_ =	shalt  }
0x4d: {  	_ =	shalt  }
0x4e: {  	_ =	shalt  }
0x4f: {  	_ =	shalt  }
0x50: {  	_ =	shalt  }
0x51: {  	_ =	shalt  }
0x52: {  	_ =	shalt  }
0x53: {  	_ =	shalt  }
0x54: {  	_ =	shalt  }
0x55: {  	_ =	shalt  }
0x56: {  	_ =	shalt  }
0x57: {  	_ =	shalt  }
0x58: {  	_ =	shalt  }
0x59: {  	_ =	shalt  }
0x5a: {  	_ =	shalt  }
0x5b: {  	_ =	shalt  }
0x5c: {  	_ =	shalt  }
0x5d: {  	_ =	shalt  }
0x5e: {  	_ =	shalt  }
0x5f: {  	_ =	shalt  }
0x60: {  	_ =	shalt  }
0x61: {  	_ =	shalt  }
0x62: {  	_ =	shalt  }
0x63: {  	_ =	shalt  }
0x64: {  	_ =	shalt  }
0x65: {  	_ =	shalt  }
0x66: {  	_ =	shalt  }
0x67: {  	_ =	shalt  }
0x68: {  	_ =	shalt  }
0x69: {  	_ =	shalt  }
0x6a: {  	_ =	shalt  }
0x6b: {  	_ =	shalt  }
0x6c: {  	_ =	shalt  }
0x6d: {  	_ =	shalt  }
0x6e: {  	_ =	shalt  }
0x6f: {  	_ =	shalt  }
0x70: {  	_ =	shalt  }
0x71: {  	_ =	shalt  }
0x72: {  	_ =	shalt  }
0x73: {  	_ =	shalt  }
0x74: {  	_ =	shalt  }
0x75: {  	_ =	shalt  }
0x76: {  	_ =	shalt  }
0x77: {  	_ =	shalt  }
0x78: {  	_ =	shalt  }
0x79: {  	_ =	shalt  }
0x7a: {  	_ =	shalt  }
0x7b: {  	_ =	shalt  }
0x7c: {  	_ =	shalt  }
0x7d: {  	_ =	shalt  }
0x7e: {  	_ =	shalt  }
0x7f: {  	_ =	shalt  }
0x80: {  	_ =	shalt  }
0x81: {  	_ =	shalt  }
0x82: {  	_ =	shalt  }
0x83: {  	_ =	shalt  }
0x84: {  	_ =	shalt  }
0x85: {  	_ =	shalt  }
0x86: {  	_ =	shalt  }
0x87: {  	_ =	shalt  }
.Lfunc_end0:
.L_simem_size_0:
called_computation.3_lowered:
.L_overlay_start_0:
0x88: {  	s2 =	sld [smem:$0x3FD9]  }
0x89: {  	s3 =	sld [smem:$0x3FFE];
	_ =	sdelay $0x1  }
0x8a: {  	s1 =	srdreg.scid  }
0x8b: {  	s0 =	sand.u32 $0x1, s1  }
0x8c: {  	s14 =	sshll.u32 s0, $0xA;
	s2 =	sadd.s32 s3, s2  }
0x8d: {  	s2 =	sadd.s32 s2, s14  }
0x8e: {  	[smem:$0x3FBA] =	sst s2  }
0x8f: {  	_ = 	snop  }
0x90: {  	s2 =	sld [smem:$0x3FD0];
	_ =	sdelay $0x2  }
0x91: {  	s15 =	simm.s32 $0xB;
	s4 =	simm.s32 $0x10  }
0x92: {  	[smem:s4], [sflag:s15] =	dma.local [hbm:s2], $0x1  }
0x93: {  	_ =	swait.eq [sflag:s15], $0x1  }
0x94: {  	[sflag:s15] =	ssyncset.done $0x0  }
0x95: {  	s16 =	sld [smem:$0x10];
	[sflag:s15] =	ssyncadd.s32 $0xFFFFFFFF  }
0x96: {  	s17 =	sld [smem:$0x11];
	(tm) =	ssettm $0x1  }
0x97: {  	s18 =	sld [smem:$0x3FFB];
	_ =	sdelay $0x3  }
0x98: {  	_ =	strace s18  }
0x99: {  	s4 =	sld [smem:$0x3FFC];
	_ =	sdelay $0x3  }
0x9a: {  	_ =	strace s4  }
0x9b: {  	s4 =	sld [smem:$0x3FFD];
	_ =	sdelay $0x3  }
0x9c: {  	_ =	strace s4  }
0x9d: {  	_ =	strace $0x8FFFFFFF  }
0x9e: {  	s19 =	sld [smem:$0x3FDB];
	_ =	sdelay $0x1  }
0x9f: {  	s5 =	simm.s32 $_scs_section_size  }
0xa0: {  	s6 =	simm.s32 $_size__tile_overlayer_lowered;
	s7 =	simm.s32 $_tile_overlayer_lowered  }
0xa1: {  	s22 =	simm.s32 $0x1BFF;
	s21 =	sshll.u32 s7, $0x1;
	s4 =	sadd.s32 s5, s19  }
0xa2: {  	s8 =	simm.s32 $0x0;
	s20 =	sshll.u32 s6, $0x1;
	s6 =	sadd.s32 s21, s4  }
0xa3: {  	[timem:s8], [sflag:s22] =	dma.local [hbm:s6], s20  }
0xa4: {  	_ =	swait.ge [sflag:s22], s20  }
0xa5: {  	s5 =	ssub.s32 $0x0, s20;
	[sflag:s22] =	ssyncset.done $0x0  }
0xa6: {  	[sflag:s22] =	ssyncadd.s32 s5;
	_ =	sdelay $0x1  }
0xa7: {  	s23 =	simm.s32 $0x1B8B  }
0xa8: {  	_ =	swait.ge [sflag:s23], $0x1  }
0xa9: {  	[sflag:s23] =	ssyncset.done $0x0  }
0xaa: {  	s25 =	simm.s32 $0x1B8E;
	s24 =	sld [smem:$0x3FFE];
	[sflag:s23] =	ssyncadd.s32 $0xFFFFFFFF  }
0xab: {  	s26 =	simm.s32 $execute0_lowered;
	[smem:$0x3FD2] =	sst s25  }
0xac: {  	s6 =	sshll.u32 s26, $0x1;
	_ =	strace $0x8000004F;
	[dreg:$0x1] =	wrdreg $0xFFFFFFFF  }
0xad: {  	s28 =	simm.s32 $_size_execute0_lowered;
	s4 =	sadd.s32 s4, s6;
	[dreg:$0x0] =	wrdreg $0x0  }
0xae: {  	s6 =	sshll.u32 s28, $0x1;
	[dreg:$0x2] =	wrdreg s4  }
0xaf: {  	[dreg:$0x3] =	wrdreg s6  }
0xb0: {  	[dreg:$0x4] =	wrdreg $0xC0  }
0xb1: {  	_ =	task [dreg:s8], $0x5FFFF  }
0xb2: {  	[dreg:$0x1] =	wrdreg $0xFFFFFFFF  }
0xb3: {  	[dreg:$0x0] =	wrdreg $0x60  }
0xb4: {  	[dreg:$0x2] =	wrdreg s24  }
0xb5: {  	[dreg:$0x3] =	wrdreg s16  }
0xb6: {  	[dreg:$0x4] =	wrdreg s17  }
0xb7: {  	[dreg:$0x5] =	wrdreg $0xB7800  }
0xb8: {  	[dreg:$0x6] =	wrdreg $0x9  }
0xb9: {  	_ =	task.clear_ibuf [dreg:s8], $0x7FFFF;
	_ =	strace $0x9000004F  }
0xba: {  	s29 =	simm.s32 $0x9;
	_ =	strace $0x80000051  }
0xbb: {  	_ =	swait.ge [sflag:s29], $0x1  }
0xbc: {  	[sflag:s29] =	ssyncadd.s32 $0xFFFFFFFF  }
0xbd: {  	_ =	strace $0x90000051  }
0xbe: {  	_ =	sfence  }
0xbf: {  	s30 =	sld [smem:$0x0];
	_ =	sdelay $0x2  }
0xc0: {  	s31 =	sshll.u32 s1, $0xD;
	s1 =	sshrl.u32 s1, $0x2  }
0xc1: {  	s3 =	sand.u32 $0x4000, s31;
	s1 =	sadd.s32 s1, s30  }
0xc2: {  	s0 =	sor.u32 s3, s0;
	s1 =	sshll.u32 s1, $0x11  }
0xc3: {  	s0 =	sor.u32 s1, s0  }
0xc4: {  	s0 =	sadd.s32 $0x8F2B, s0  }
0xc5: {  	[sflag:s0] =	ssyncadd.remote.s32 $0x1  }
0xc6: {  	_ =	sfence.sel $0xFFFF  }
0xc7: {  	[dreg:$0x0] =	wrdreg $0xFFFFFFFF;
	(pc) =	sbr.abs _section_cstart, $3  }
0xc8: {  	[dreg:$0x1] =	wrdreg $0xFFFFFFFF  }
0xc9: {  	_ =	task.clear_ibuf [dreg:s8], $0x2FFFF;
	_ =	strace $0x9FFFFFFF  }
0xca: {  	(tm) =	ssettm $0x7FFFFFFF  }
0xcb: {  	_ =	shalt  }
tec
execute0_lowered:
.L_overlay_start_1:
0x0: {  	(tag) =	ssettag $0x1  }
0x1: {  	s6 =	rddreg [dreg:$0x0]  }
0x2: {  	s7 =	rddreg [dreg:$0x1]  }
0x3: {  	s8 =	rddreg [dreg:$0x2]  }
0x4: {  	s1 =	rddreg [dreg:$0x3]  }
0x5: {  	s2 =	srdreg.scid;
	s0 =	rddreg [dreg:$0x4];
	s3 =	simm.s32 $0x0  }
0x6: {  	s14 =	simm.s32 $0x50;
	s15 =	simm.s32 $0x6780;
	s16 =	simm.s32 $0x1  }
0x7: {  	s17 =	simm.s32 $0x8F80;
	s18 =	simm.s32 $0x6580;
	s19 =	simm.s32 $0x0  }
0x8: {  	s9 =	sand.u32 $0x1, s2;
	s2 =	stileid.u32;
	[smem:$0x7FF] =	sst s3  }
0x9: {  	s4 =	sadd.s32 $0x5200, s6;
	s5 =	sadd.s32 $0x2A00, s6;
	s10 =	smul.u32 $0x140000, s9  }
0xa: {  	s11 =	smul.u32 $0x14000, s2;
	_ =	strace $0x80000050;
	s26 =	sshll.u32 s9, $0x4  }
0xb: {  	s12 =	smul.u32 $0x50000, s2;
	s28 =	ssub.s32 $0x2, s9;
	s31 =	sshll.u32 s2, $0x6  }
0xc: {  	s29 =	sor.u32 s2, s26;
	s30 =	sshrl.u32 s28, $0x1;
	s10 =	sadd.s32 s11, s10  }
0xd: {  	s12 =	sshrl.u32 s12, $0x2;
	s13 =	smul.u32 $0x4E2, s29;
	s11 =	ssub.s32 s28, s30  }
0xe: {  	s9 =	sshll.u32 s29, $0xB;
	s10 =	sshrl.u32 s10, $0x3;
	s12 =	sadd.s32 s12, s1  }
0xf: {  	s8 =	sadd.s32 s8, s9;
	s10 =	sadd.s32 s10, s6;
	s6 =	sor.u32 $0x1C02, s31  }
0x10: {  	s7 =	sadd.s32 s7, s13;
	s13 =	simm.s32 $0x2780;
	s9 =	sadd.s32 $0x2C400, s10  }
0x11: {  	s10 =	smax.u32 s11, $0x1;
	s11 =	sshrl.u32 s12, $0x3;
	s12 =	simm.s32 $0x2  }
.LBB2_1:
0x12: {  	[spmem:s11], [sflag:s6] =	dma.local [hbm:s5], $0x2800  }
0x13: {  	_ =	swait.ge [sflag:s12], $0x2800  }
0x14: {  	[sflag:s12] =	ssyncset.done $0x0  }
0x15: {  	[sflag:s12] =	ssyncadd.s32 $0xFFFFD800  }
0x16: {  	[tilespmem:s3], [sflag:$0x2] =	stream.linear.gather [hbm4b:s7+s3], $0x2710, $0x38;
	[tilespmem:$0x1F780] =	vst v63  }
0x17: {  	_ =	swait.ge [sflag:s12], $0x2710  }
0x18: {  	[sflag:s12] =	ssyncset.done $0x0  }
0x19: {  	[sflag:s12] =	ssyncadd.s32 $0xFFFFD8F0  }
0x1a: {  	[tilespmem:s13], [sflag:$0x2] =	stream.linear.gather [hbm4b:s8+s3], $0x3E80, $0x38;
	[tilespmem:$0x1F780] =	vst v63  }
0x1b: {  	_ =	swait.ge [sflag:s12], $0x3E80  }
0x1c: {  	[sflag:s12] =	ssyncset.done $0x0  }
0x1d: {  	[sflag:s12] =	ssyncadd.s32 $0xFFFFC180  }
0x1e: {  	[bflag:$0x0] =	sbarrier.arrive $0xFFFF  }
0x1f: {  	[tilespmem:s15], [sflag:$0x1] =	stream.indirect.gather [hbm4b:s4+s14], $0x80, s3, s14, $0xb8;
	[tilespmem:$0x1F780] =	vst v63  }
0x20: {  	_ =	swait.ge [sflag:s16], $0x2800  }
0x21: {  	[sflag:s16] =	ssyncset.done $0x0  }
0x22: {  	s20 =	simm.s32 $0x50;
	[sflag:s16] =	ssyncadd.s32 $0xFFFFD800  }
0x23: {  	[tilespmem:s17], [sflag:$0x1] =	stream.indirect.gather [hbm4b:s4+s14], $0x80, s20, s14, $0xb8;
	[tilespmem:$0x1F780] =	vst v63  }
0x24: {  	s31 =	simm.s32 $0x2780  }
0x25: {  	[spmem:s1] =	stream.indirect.scatter.add.f32 [tilespmem:s15], [sflag:$0x2], $0x80, s31, s14, $0xb8;
	[tilespmem:$0x1F780] =	vst v63  }
0x26: {  	_ =	swait.ge [sflag:s12], $0x2800  }
0x27: {  	[sflag:s12] =	ssyncset.done $0x0  }
0x28: {  	[sflag:s12] =	ssyncadd.s32 $0xFFFFD800  }
0x29: {  	_ =	swait.ge [sflag:s16], $0x2800  }
0x2a: {  	[sflag:s16] =	ssyncset.done $0x0  }
0x2b: {  	s20 =	simm.s32 $0xA0;
	[sflag:s16] =	ssyncadd.s32 $0xFFFFD800  }
0x2c: {  	[tilespmem:s15], [sflag:$0x1] =	stream.indirect.gather [hbm4b:s4+s14], $0x80, s20, s14, $0xb8;
	[tilespmem:$0x1F780] =	vst v63  }
0x2d: {  	s21 =	simm.s32 $0x2800  }
0x2e: {  	[spmem:s1] =	stream.indirect.scatter.add.f32 [tilespmem:s17], [sflag:$0x2], $0x80, s21, s14, $0xb8;
	[tilespmem:$0x1F780] =	vst v63  }
0x2f: {  	_ =	swait.ge [sflag:s12], $0x2800  }
0x30: {  	s21 =	simm.s32 $0x400;
	[sflag:s12] =	ssyncset.done $0x0  }
.LBB2_2:
0x31: {  	p0 =	sne.s32 s21, $0xF400;
	[sflag:s12] =	ssyncadd.s32 $0xFFFFD800;
	s20 =	sadd.s32 $0xA0, s20  }
0x32: {  	s22 =	smov.u32 s21;
	s21 =	sadd.s32 $0x400, s21  }
0x33: {  	_ =	swait.ge [sflag:s16], $0x2800  }
0x34: {  	[sflag:s16] =	ssyncset.done $0x0  }
0x35: {  	s23 =	sadd.s32 $0xFFFFFFB0, s20;
	s22 =	sshra.s32 s22, $0x2;
	[sflag:s16] =	ssyncadd.s32 $0xFFFFD800  }
0x36: {  	[tilespmem:s17], [sflag:$0x1] =	stream.indirect.gather [hbm4b:s4+s14], $0x80, s23, s14, $0xb8;
	[tilespmem:$0x1F780] =	vst v63  }
0x37: {  	s23 =	sadd.s32 $0x2780, s22  }
0x38: {  	[spmem:s1] =	stream.indirect.scatter.add.f32 [tilespmem:s15], [sflag:$0x2], $0x80, s23, s14, $0xb8;
	[tilespmem:$0x1F780] =	vst v63  }
0x39: {  	_ =	swait.ge [sflag:s12], $0x2800  }
0x3a: {  	[sflag:s12] =	ssyncset.done $0x0  }
0x3b: {  	[sflag:s12] =	ssyncadd.s32 $0xFFFFD800  }
0x3c: {  	_ =	swait.ge [sflag:s16], $0x2800  }
0x3d: {  	[sflag:s16] =	ssyncset.done $0x0  }
0x3e: {  	[sflag:s16] =	ssyncadd.s32 $0xFFFFD800  }
0x3f: {  	[tilespmem:s15], [sflag:$0x1] =	stream.indirect.gather [hbm4b:s4+s14], $0x80, s20, s14, $0xb8;
	[tilespmem:$0x1F780] =	vst v63  }
.Ltmp0:
0x40: {  	_ = 	snop;
	(pc) =	sbr.rel @p0 .LBB2_2-.Ltmp0, $4  }
0x41: {  	s22 =	sadd.s32 $0x2800, s22  }
0x42: {  	[spmem:s1] =	stream.indirect.scatter.add.f32 [tilespmem:s17], [sflag:$0x2], $0x80, s22, s14, $0xb8;
	[tilespmem:$0x1F780] =	vst v63  }
0x43: {  	_ =	swait.ge [sflag:s12], $0x2800  }
0x44: {  	[sflag:s12] =	ssyncset.done $0x0  }
0x45: {  	[sflag:s12] =	ssyncadd.s32 $0xFFFFD800  }
0x46: {  	_ =	swait.ge [sflag:s16], $0x2800  }
0x47: {  	[sflag:s16] =	ssyncset.done $0x0  }
0x48: {  	[sflag:s16] =	ssyncadd.s32 $0xFFFFD800  }
0x49: {  	[spmem:s1] =	stream.indirect.scatter.add.f32 [tilespmem:s15], [sflag:$0x2], $0x80, s18, s14, $0xb8;
	[tilespmem:$0x1F780] =	vst v63  }
0x4a: {  	_ =	swait.ge [sflag:s12], $0x2800  }
0x4b: {  	s19 =	sadd.s32 $0x1, s19;
	[sflag:s12] =	ssyncset.done $0x0  }
0x4c: {  	p0 =	sne.s32 s19, s10;
	[sflag:s12] =	ssyncadd.s32 $0xFFFFD800  }
.Ltmp1:
0x4d: {  	[bflag:$0x0] =	sbarrier.arrive $0xFFFF;
	(pc) =	sbr.rel @p0 .LBB2_1-.Ltmp1, $4  }
0x4e: {  	[hbm:s9], [sflag:s6] =	dma.local [spmem:s11], $0x2800  }
0x4f: {  	_ =	swait.ge [sflag:s12], $0x2800  }
0x50: {  	[sflag:s12] =	ssyncset.done $0x0  }
0x51: {  	[sflag:s12] =	ssyncadd.s32 $0xFFFFD800  }
0x52: {  	_ =	sfence.sel $0x180000  }
0x53: {  	[bflag:$0x0] =	sbarrier.arrive $0xFFFF  }
0x54: {  	p0 =	sne.s32 s2, $0x0;
	_ =	strace $0x90000050  }
0x55: {  	s0 =	sadd.s32 @!p0 $0x100000, s0;
	[bflag:$0x2] =	sbarrier.arrive $0xFFFF  }
0x56: {  	[sflag:s0] =	ssyncadd.tile.s32 @!p0 $0x1;
	_ =	shalt  }
.Lfunc_end2:
_tile_overlayer_lowered:
.L_overlay_start_2:
0x57: {  	(tag) =	ssettag $0x2  }
0x58: {  	s0 =	rddreg [dreg:$0x0];
	s2 =	stileid.u32  }
0x59: {  	s1 =	rddreg [dreg:$0x1];
	p0 =	sne.s32 s2, $0x0  }
0x5a: {  	s3 =	rddreg [dreg:$0x2];
	[bflag:$0x3] =	sbarrier.arrive $0xFFFF;
	s2 =	simm.s32 @!p0 $0x1C02  }
0x5b: {  	[timem:s3], [sflag:s2] =	dma.local @!p0 [hbm:s0], s1  }
0x5c: {  	s0 =	simm.s32 @!p0 $0x2  }
0x5d: {  	_ =	swait.ge @!p0 [sflag:s0], s1  }
0x5e: {  	s1 =	ssub.s32 @!p0 $0x0, s1;
	[sflag:s0] =	ssyncset.done @!p0 $0x0  }
0x5f: {  	[sflag:s0] =	ssyncadd.s32 @!p0 s1  }
0x60: {  	[bflag:$0x3] =	sbarrier.arrive $0xFFFF  }
0x61: {  	_ =	shalt  }

// kernel: sc_seg_agg.5.cloned.1.call-start
scs
__scs_entry_jumppad:
0x0: {  	(pc) =	sbr.rel $0x88, $3  }
0x1: {  	(tag) =	ssettag $0x0;
	lr =	simm.s32 $0x1  }
0x2: {  	[smem:$0x3F93] =	sst lr;
	_ =	strace $0xD0000000  }
0x3: {  	_ = 	snop  }
0x4: {  	_ = 	snop  }
0x5: {  	_ = 	snop  }
0x6: {  	_ = 	snop  }
0x7: {  	_ = 	snop  }
__scs_overlays_trampoline_lowered:
0x8: {  	[smem:$0x3FA2] =	sst s0  }
0x9: {  	[smem:$0x3FA3] =	sst s1  }
0xa: {  	[smem:$0x3FA4] =	sst s2  }
0xb: {  	[smem:$0x3FA5] =	sst s3  }
0xc: {  	[smem:$0x3FA6] =	sst s4  }
0xd: {  	[smem:$0x3FA7] =	sst s5  }
0xe: {  	[smem:$0x3FA8] =	sst s6  }
0xf: {  	[smem:$0x3FA9] =	sst s7  }
0x10: {  	[smem:$0x3FAA] =	sst s8  }
0x11: {  	[smem:$0x3FAB] =	sst s9;
	s0 =	simm.s32 @!p0 $0x0  }
0x12: {  	s1 =	sld [smem:$0x3F91];
	s0 =	simm.s32 @p0 $0x1  }
0x13: {  	[smem:$0x3FAC] =	sst s0;
	s0 =	simm.s32 @!p1 $0x0  }
0x14: {  	s2 =	sld [smem:$0x3F90];
	s0 =	simm.s32 @p1 $0x1  }
0x15: {  	[smem:$0x3FAD] =	sst s0;
	s0 =	simm.s32 @!p2 $0x0  }
0x16: {  	s3 =	sld [smem:$0x3FDB];
	s0 =	simm.s32 @p2 $0x1  }
0x17: {  	s4 =	simm.s32 $0x1BF5;
	[smem:$0x3FAF] =	sst s0  }
0x18: {  	s0 =	sld [smem:$0x3F92];
	_ =	swait.ge [sflag:s4], $0x0  }
0x19: {  	s7 =	sld [smem:$0x3F93]  }
0x1a: {  	s8 =	sadd.s32 $0xFFFFE003, lr  }
0x1b: {  	s9 =	sadd.s32 $0xFFFFFEF7, lr;
	s5 =	simm.s32 $0xFFFFFFFF;
	p2 =	slt.u32 s8, $0xFFFFF086  }
0x1c: {  	p1 =	slt.u32 s9, $0xF7A;
	s5 =	simm.s32 @!p2 $0x0  }
0x1d: {  	s5 =	simm.s32 @p1 $0x1;
	p0 =	seq.s32 s7, s2  }
0x1e: {  	s7 =	smul.u32 @!p0 $0xF7A, s2;
	p2 =	seq.s32 @!p0 s5, $0x0  }
0x1f: {  	s9 =	smul.u32 $0xF7A, s1;
	s8 =	simm.s32 @!p0 $0x1BF5;
	p2 =	por !p2, p0  }
0x20: {  	[sflag:s8] =	ssyncset.s32 @!p0 $0xFFFFF086;
	s6 =	sadd.s32 @!p0 s3, s7;
	s7 =	simm.s32 @!p0 $0x108  }
0x21: {  	s3 =	sadd.s32 s3, s9;
	s6 =	sadd.s32 @!p0 $0x88, s6;
	s7 =	simm.s32 @p2 $0x1082  }
0x22: {  	[simem:s7], [sflag:s8] =	dma.local @!p0 [hbm:s6], $0xF7A  }
0x23: {  	s9 =	sor.u32 $0xD0000000, s2;
	s6 =	simm.s32 $0x108;
	_ =	swait.ge @!p0 [sflag:s8], $0x0  }
0x24: {  	s3 =	sadd.s32 $0x88, s3;
	s6 =	simm.s32 @!p1 $0x1082;
	[sflag:s4] =	ssyncset.s32 $0xFFFFF086  }
0x25: {  	[simem:s6], [sflag:s4] =	dma.local [hbm:s3], $0xF7A  }
0x26: {  	[smem:$0x3F93] =	sst s1;
	(tag) =	ssettag s2;
	_ =	strace s9  }
0x27: {  	s1 =	sld [smem:$0x3FA3]  }
0x28: {  	s2 =	sld [smem:$0x3FA4]  }
0x29: {  	s4 =	sld [smem:$0x3FA6]  }
0x2a: {  	p0 =	seq.s32 s5, $0x0;
	s5 =	sld [smem:$0x3FA7]  }
0x2b: {  	s6 =	sld [smem:$0x3FA8]  }
0x2c: {  	s7 =	sld [smem:$0x3FA9]  }
0x2d: {  	s3 =	simm.s32 $0x108;
	s8 =	sld [smem:$0x3FAA]  }
0x2e: {  	s3 =	simm.s32 @!p0 $0x1082;
	s9 =	sld [smem:$0x3FAB]  }
0x2f: {  	lr =	sadd.s32 s0, s3;
	s0 =	sld [smem:$0x3FA2]  }
0x30: {  	s3 =	sld [smem:$0x3FA5]  }
0x31: {  	[smem:$0x3FAE] =	sst s10  }
0x32: {  	s10 =	sld [smem:$0x3FAC];
	_ =	sdelay $0x3  }
0x33: {  	p0 =	seq.s32 s10, $0x1;
	s10 =	sld [smem:$0x3FAE];
	_ =	sdelay $0x3  }
0x34: {  	[smem:$0x3FAE] =	sst s10  }
0x35: {  	s10 =	sld [smem:$0x3FAD];
	_ =	sdelay $0x3  }
0x36: {  	p1 =	seq.s32 s10, $0x1;
	s10 =	sld [smem:$0x3FAE];
	_ =	sdelay $0x3  }
0x37: {  	[smem:$0x3FAE] =	sst s10  }
0x38: {  	s10 =	sld [smem:$0x3FAF]  }
0x39: {  	_ = 	snop;
	(pc) =	sbr.ind lr, $3  }
0x3a: {  	_ = 	snop  }
0x3b: {  	_ = 	snop  }
0x3c: {  	p2 =	seq.s32 s10, $0x1;
	s10 =	sld [smem:$0x3FAE]  }
0x3d: {  	_ =	shalt  }
0x3e: {  	_ =	shalt  }
0x3f: {  	_ =	shalt  }
0x40: {  	_ =	shalt  }
0x41: {  	_ =	shalt  }
0x42: {  	_ =	shalt  }
0x43: {  	_ =	shalt  }
0x44: {  	_ =	shalt  }
0x45: {  	_ =	shalt  }
0x46: {  	_ =	shalt  }
0x47: {  	_ =	shalt  }
0x48: {  	_ =	shalt  }
0x49: {  	_ =	shalt  }
0x4a: {  	_ =	shalt  }
0x4b: {  	_ =	shalt  }
0x4c: {  	_ =	shalt  }
0x4d: {  	_ =	shalt  }
0x4e: {  	_ =	shalt  }
0x4f: {  	_ =	shalt  }
0x50: {  	_ =	shalt  }
0x51: {  	_ =	shalt  }
0x52: {  	_ =	shalt  }
0x53: {  	_ =	shalt  }
0x54: {  	_ =	shalt  }
0x55: {  	_ =	shalt  }
0x56: {  	_ =	shalt  }
0x57: {  	_ =	shalt  }
0x58: {  	_ =	shalt  }
0x59: {  	_ =	shalt  }
0x5a: {  	_ =	shalt  }
0x5b: {  	_ =	shalt  }
0x5c: {  	_ =	shalt  }
0x5d: {  	_ =	shalt  }
0x5e: {  	_ =	shalt  }
0x5f: {  	_ =	shalt  }
0x60: {  	_ =	shalt  }
0x61: {  	_ =	shalt  }
0x62: {  	_ =	shalt  }
0x63: {  	_ =	shalt  }
0x64: {  	_ =	shalt  }
0x65: {  	_ =	shalt  }
0x66: {  	_ =	shalt  }
0x67: {  	_ =	shalt  }
0x68: {  	_ =	shalt  }
0x69: {  	_ =	shalt  }
0x6a: {  	_ =	shalt  }
0x6b: {  	_ =	shalt  }
0x6c: {  	_ =	shalt  }
0x6d: {  	_ =	shalt  }
0x6e: {  	_ =	shalt  }
0x6f: {  	_ =	shalt  }
0x70: {  	_ =	shalt  }
0x71: {  	_ =	shalt  }
0x72: {  	_ =	shalt  }
0x73: {  	_ =	shalt  }
0x74: {  	_ =	shalt  }
0x75: {  	_ =	shalt  }
0x76: {  	_ =	shalt  }
0x77: {  	_ =	shalt  }
0x78: {  	_ =	shalt  }
0x79: {  	_ =	shalt  }
0x7a: {  	_ =	shalt  }
0x7b: {  	_ =	shalt  }
0x7c: {  	_ =	shalt  }
0x7d: {  	_ =	shalt  }
0x7e: {  	_ =	shalt  }
0x7f: {  	_ =	shalt  }
0x80: {  	_ =	shalt  }
0x81: {  	_ =	shalt  }
0x82: {  	_ =	shalt  }
0x83: {  	_ =	shalt  }
0x84: {  	_ =	shalt  }
0x85: {  	_ =	shalt  }
0x86: {  	_ =	shalt  }
0x87: {  	_ =	shalt  }
.Lfunc_end0:
.L_simem_size_0:
called_computation.1_lowered:
.L_overlay_start_0:
0x88: {  	s2 =	sld [smem:$0x3FD9]  }
0x89: {  	s3 =	sld [smem:$0x3FFE];
	_ =	sdelay $0x1  }
0x8a: {  	s1 =	srdreg.scid  }
0x8b: {  	s0 =	sand.u32 $0x1, s1  }
0x8c: {  	s15 =	sshll.u32 s0, $0xA;
	s2 =	sadd.s32 s3, s2  }
0x8d: {  	s2 =	sadd.s32 s2, s15  }
0x8e: {  	[smem:$0x3FBA] =	sst s2  }
0x8f: {  	_ = 	snop  }
0x90: {  	s2 =	sld [smem:$0x3FD0];
	_ =	sdelay $0x2  }
0x91: {  	s5 =	simm.s32 $0xB;
	s4 =	simm.s32 $0x10;
	s16 =	sld [smem:$0x3FC9]  }
0x92: {  	[smem:s4], [sflag:s5] =	dma.local [hbm:s2], $0x1  }
0x93: {  	_ =	swait.eq [sflag:s5], $0x1  }
0x94: {  	[sflag:s5] =	ssyncset.done $0x0  }
0x95: {  	s17 =	sld [smem:$0x10];
	[sflag:s5] =	ssyncadd.s32 $0xFFFFFFFF  }
0x96: {  	s18 =	sld [smem:$0x11];
	(tm) =	ssettm $0x1  }
0x97: {  	s19 =	sld [smem:$0x3FFB];
	_ =	sdelay $0x3  }
0x98: {  	_ =	strace s19  }
0x99: {  	s2 =	sld [smem:$0x3FFC];
	_ =	sdelay $0x3  }
0x9a: {  	_ =	strace s2  }
0x9b: {  	s2 =	sld [smem:$0x3FFD];
	_ =	sdelay $0x3  }
0x9c: {  	_ =	strace s2  }
0x9d: {  	_ =	strace $0x8FFFFFFF  }
0x9e: {  	s20 =	sld [smem:$0x3FDB];
	_ =	sdelay $0x1  }
0x9f: {  	s6 =	simm.s32 $_scs_section_size  }
0xa0: {  	s7 =	simm.s32 $_size__tile_overlayer_lowered;
	s8 =	simm.s32 $_tile_overlayer_lowered  }
0xa1: {  	s9 =	simm.s32 $0x1BFF;
	s21 =	sshll.u32 s8, $0x1;
	s6 =	sadd.s32 s6, s20  }
0xa2: {  	s22 =	simm.s32 $0x0;
	s7 =	sshll.u32 s7, $0x1;
	s8 =	sadd.s32 s21, s6  }
0xa3: {  	[timem:s22], [sflag:s9] =	dma.local [hbm:s8], s7  }
0xa4: {  	_ =	swait.ge [sflag:s9], s7  }
0xa5: {  	s7 =	ssub.s32 $0x0, s7;
	[sflag:s9] =	ssyncset.done $0x0  }
0xa6: {  	[sflag:s9] =	ssyncadd.s32 s7;
	_ =	sdelay $0x1  }
0xa7: {  	s23 =	simm.s32 $0x1B8B  }
0xa8: {  	_ =	swait.ge [sflag:s23], $0x1  }
0xa9: {  	[sflag:s23] =	ssyncset.done $0x0  }
0xaa: {  	[sflag:s23] =	ssyncadd.s32 $0xFFFFFFFF  }
0xab: {  	s7 =	sld [smem:$0x0]  }
0xac: {  	s8 =	sand.u32 $0xFFFFFFFE, s1  }
0xad: {  	p0 =	sne.s32 s1, s8  }
0xae: {  	s8 =	sshll.u32 @p0 s8, $0xE  }
0xaf: {  	s8 =	sadd.s32 @p0 $0x11B8D, s8;
	s9 =	sshll.u32 @p0 s7, $0x11  }
0xb0: {  	s8 =	sor.u32 @p0 s9, s8  }
0xb1: {  	[sflag:s8] =	ssyncadd.remote.s32 @p0 $0x1;
	_ =	sdelay $0x1  }
0xb2: {  	s8 =	simm.s32 @p0 $0x1B8D  }
0xb3: {  	_ =	swait.eq @p0 [sflag:s8], $0x1  }
0xb4: {  	[sflag:s8] =	ssyncadd.s32 @p0 $0xFFFFFFFF  }
0xb5: {  	s9 =	sshll.u32 @!p0 s1, $0xE  }
0xb6: {  	s9 =	sor.u32 @!p0 $0x4000, s9;
	s8 =	simm.s32 @!p0 $0x1B8D  }
0xb7: {  	s7 =	sshll.u32 @!p0 s7, $0x11;
	s9 =	sadd.s32 @!p0 $0x11B8D, s9;
	_ =	swait.eq @!p0 [sflag:s8], $0x1  }
0xb8: {  	s7 =	sor.u32 @!p0 s7, s9;
	[sflag:s8] =	ssyncadd.s32 @!p0 $0xFFFFFFFF  }
0xb9: {  	s25 =	simm.s32 $0x1B8E;
	s24 =	sld [smem:$0x3FFE];
	[sflag:s7] =	ssyncadd.remote.s32 @!p0 $0x1  }
0xba: {  	s26 =	simm.s32 $execute0_lowered;
	[smem:$0x3FD2] =	sst s25  }
0xbb: {  	s8 =	sshll.u32 s26, $0x1;
	_ =	strace $0x80000049;
	[dreg:$0x1] =	wrdreg $0xFFFFFFFF  }
0xbc: {  	s28 =	simm.s32 $_size_execute0_lowered;
	s6 =	sadd.s32 s6, s8;
	[dreg:$0x0] =	wrdreg $0x0  }
0xbd: {  	s8 =	sshll.u32 s28, $0x1;
	[dreg:$0x2] =	wrdreg s6  }
0xbe: {  	[dreg:$0x3] =	wrdreg s8  }
0xbf: {  	[dreg:$0x4] =	wrdreg $0xC0  }
0xc0: {  	_ =	task [dreg:s22], $0x5FFFF  }
0xc1: {  	[dreg:$0x1] =	wrdreg $0xFFFFFFFF  }
0xc2: {  	[dreg:$0x0] =	wrdreg $0x60  }
0xc3: {  	[dreg:$0x2] =	wrdreg s16  }
0xc4: {  	[dreg:$0x3] =	wrdreg s17  }
0xc5: {  	[dreg:$0x4] =	wrdreg s18  }
0xc6: {  	[dreg:$0x5] =	wrdreg s24  }
0xc7: {  	[dreg:$0x6] =	wrdreg $0xB7800  }
0xc8: {  	[dreg:$0x7] =	wrdreg $0xA  }
0xc9: {  	_ =	task.clear_ibuf [dreg:s22], $0x8FFFF;
	_ =	strace $0x90000049  }
0xca: {  	s29 =	simm.s32 $0xA;
	_ =	strace $0x8000004B  }
0xcb: {  	_ =	swait.ge [sflag:s29], $0x1  }
0xcc: {  	[sflag:s29] =	ssyncadd.s32 $0xFFFFFFFF  }
0xcd: {  	_ =	strace $0x9000004B  }
0xce: {  	_ =	sfence  }
0xcf: {  	s30 =	sld [smem:$0x0];
	_ =	sdelay $0x2  }
0xd0: {  	s31 =	sshll.u32 s1, $0xD;
	s1 =	sshrl.u32 s1, $0x2  }
0xd1: {  	s4 =	sand.u32 $0x4000, s31;
	s1 =	sadd.s32 s1, s30  }
0xd2: {  	s0 =	sor.u32 s4, s0;
	s1 =	sshll.u32 s1, $0x11  }
0xd3: {  	s0 =	sor.u32 s1, s0  }
0xd4: {  	s0 =	sadd.s32 $0x8F2B, s0  }
0xd5: {  	[sflag:s0] =	ssyncadd.remote.s32 $0x1  }
0xd6: {  	_ =	sfence.sel $0xFFFF  }
0xd7: {  	[dreg:$0x0] =	wrdreg $0xFFFFFFFF;
	(pc) =	sbr.abs _section_cstart, $3  }
0xd8: {  	[dreg:$0x1] =	wrdreg $0xFFFFFFFF  }
0xd9: {  	_ =	task.clear_ibuf [dreg:s22], $0x2FFFF;
	_ =	strace $0x9FFFFFFF  }
0xda: {  	(tm) =	ssettm $0x7FFFFFFF  }
0xdb: {  	_ =	shalt  }
tec
execute0_lowered:
.L_overlay_start_1:
0x0: {  	(tag) =	ssettag $0x1  }
0x1: {  	s0 =	rddreg [dreg:$0x0]  }
0x2: {  	s7 =	rddreg [dreg:$0x1]  }
0x3: {  	s8 =	rddreg [dreg:$0x2]  }
0x4: {  	s6 =	rddreg [dreg:$0x3];
	s1 =	srdreg.scid  }
0x5: {  	s3 =	rddreg [dreg:$0x4];
	s2 =	stileid.u32  }
0x6: {  	s4 =	simm.s32 $0x0;
	s14 =	simm.s32 $0x50;
	s15 =	simm.s32 $0x6780  }
0x7: {  	s16 =	simm.s32 $0x1;
	s17 =	simm.s32 $0x8F80;
	s18 =	simm.s32 $0x6580  }
0x8: {  	s9 =	sand.u32 $0x1, s1;
	s1 =	rddreg [dreg:$0x5];
	s11 =	smul.u32 $0x14000, s2  }
0x9: {  	s19 =	simm.s32 $0x0;
	[smem:$0x7FF] =	sst s4;
	s12 =	smul.u32 $0x50000, s2  }
0xa: {  	s5 =	sadd.s32 $0x2A00, s6;
	s31 =	sshll.u32 s2, $0x6;
	s10 =	smul.u32 $0x140000, s9  }
0xb: {  	_ =	strace $0x8000004A;
	s26 =	sshll.u32 s9, $0x4;
	s28 =	ssub.s32 $0x2, s9  }
0xc: {  	s29 =	sor.u32 s2, s26;
	s30 =	sshrl.u32 s28, $0x1;
	s12 =	sshrl.u32 s12, $0x2  }
0xd: {  	s10 =	sadd.s32 s11, s10;
	s13 =	smul.u32 $0x4E2, s29;
	s11 =	ssub.s32 s28, s30  }
0xe: {  	s12 =	sadd.s32 s12, s3;
	s9 =	sshll.u32 s29, $0xB;
	s10 =	sshrl.u32 s10, $0x3  }
0xf: {  	s8 =	sadd.s32 s8, s9;
	s10 =	sadd.s32 s10, s6;
	s6 =	sor.u32 $0x1C02, s31  }
0x10: {  	s7 =	sadd.s32 s7, s13;
	s13 =	simm.s32 $0x2780;
	s9 =	sadd.s32 $0x55200, s10  }
0x11: {  	s10 =	smax.u32 s11, $0x1;
	s11 =	sshrl.u32 s12, $0x3;
	s12 =	simm.s32 $0x2  }
.LBB2_1:
0x12: {  	[spmem:s11], [sflag:s6] =	dma.local [hbm:s5], $0x2800  }
0x13: {  	_ =	swait.ge [sflag:s12], $0x2800  }
0x14: {  	[sflag:s12] =	ssyncset.done $0x0  }
0x15: {  	[sflag:s12] =	ssyncadd.s32 $0xFFFFD800  }
0x16: {  	[tilespmem:s4], [sflag:$0x2] =	stream.linear.gather [hbm4b:s7+s4], $0x2710, $0x38;
	[tilespmem:$0x1F780] =	vst v63  }
0x17: {  	_ =	swait.ge [sflag:s12], $0x2710  }
0x18: {  	[sflag:s12] =	ssyncset.done $0x0  }
0x19: {  	[sflag:s12] =	ssyncadd.s32 $0xFFFFD8F0  }
0x1a: {  	[tilespmem:s13], [sflag:$0x2] =	stream.linear.gather [hbm4b:s8+s4], $0x3E80, $0x38;
	[tilespmem:$0x1F780] =	vst v63  }
0x1b: {  	_ =	swait.ge [sflag:s12], $0x3E80  }
0x1c: {  	[sflag:s12] =	ssyncset.done $0x0  }
0x1d: {  	[sflag:s12] =	ssyncadd.s32 $0xFFFFC180  }
0x1e: {  	[bflag:$0x0] =	sbarrier.arrive $0xFFFF  }
0x1f: {  	[tilespmem:s15], [sflag:$0x1] =	stream.indirect.gather [hbm4b:s0+s14], $0x80, s4, s14, $0xb8;
	[tilespmem:$0x1F780] =	vst v63  }
0x20: {  	_ =	swait.ge [sflag:s16], $0x2800  }
0x21: {  	[sflag:s16] =	ssyncset.done $0x0  }
0x22: {  	s20 =	simm.s32 $0x50;
	[sflag:s16] =	ssyncadd.s32 $0xFFFFD800  }
0x23: {  	[tilespmem:s17], [sflag:$0x1] =	stream.indirect.gather [hbm4b:s0+s14], $0x80, s20, s14, $0xb8;
	[tilespmem:$0x1F780] =	vst v63  }
0x24: {  	s31 =	simm.s32 $0x2780  }
0x25: {  	[spmem:s3] =	stream.indirect.scatter.add.f32 [tilespmem:s15], [sflag:$0x2], $0x80, s31, s14, $0xb8;
	[tilespmem:$0x1F780] =	vst v63  }
0x26: {  	_ =	swait.ge [sflag:s12], $0x2800  }
0x27: {  	[sflag:s12] =	ssyncset.done $0x0  }
0x28: {  	[sflag:s12] =	ssyncadd.s32 $0xFFFFD800  }
0x29: {  	_ =	swait.ge [sflag:s16], $0x2800  }
0x2a: {  	[sflag:s16] =	ssyncset.done $0x0  }
0x2b: {  	s20 =	simm.s32 $0xA0;
	[sflag:s16] =	ssyncadd.s32 $0xFFFFD800  }
0x2c: {  	[tilespmem:s15], [sflag:$0x1] =	stream.indirect.gather [hbm4b:s0+s14], $0x80, s20, s14, $0xb8;
	[tilespmem:$0x1F780] =	vst v63  }
0x2d: {  	s21 =	simm.s32 $0x2800  }
0x2e: {  	[spmem:s3] =	stream.indirect.scatter.add.f32 [tilespmem:s17], [sflag:$0x2], $0x80, s21, s14, $0xb8;
	[tilespmem:$0x1F780] =	vst v63  }
0x2f: {  	_ =	swait.ge [sflag:s12], $0x2800  }
0x30: {  	s21 =	simm.s32 $0x400;
	[sflag:s12] =	ssyncset.done $0x0  }
.LBB2_2:
0x31: {  	p0 =	sne.s32 s21, $0xF400;
	[sflag:s12] =	ssyncadd.s32 $0xFFFFD800;
	s20 =	sadd.s32 $0xA0, s20  }
0x32: {  	s22 =	smov.u32 s21;
	s21 =	sadd.s32 $0x400, s21  }
0x33: {  	_ =	swait.ge [sflag:s16], $0x2800  }
0x34: {  	[sflag:s16] =	ssyncset.done $0x0  }
0x35: {  	s23 =	sadd.s32 $0xFFFFFFB0, s20;
	s22 =	sshra.s32 s22, $0x2;
	[sflag:s16] =	ssyncadd.s32 $0xFFFFD800  }
0x36: {  	[tilespmem:s17], [sflag:$0x1] =	stream.indirect.gather [hbm4b:s0+s14], $0x80, s23, s14, $0xb8;
	[tilespmem:$0x1F780] =	vst v63  }
0x37: {  	s23 =	sadd.s32 $0x2780, s22  }
0x38: {  	[spmem:s3] =	stream.indirect.scatter.add.f32 [tilespmem:s15], [sflag:$0x2], $0x80, s23, s14, $0xb8;
	[tilespmem:$0x1F780] =	vst v63  }
0x39: {  	_ =	swait.ge [sflag:s12], $0x2800  }
0x3a: {  	[sflag:s12] =	ssyncset.done $0x0  }
0x3b: {  	[sflag:s12] =	ssyncadd.s32 $0xFFFFD800  }
0x3c: {  	_ =	swait.ge [sflag:s16], $0x2800  }
0x3d: {  	[sflag:s16] =	ssyncset.done $0x0  }
0x3e: {  	[sflag:s16] =	ssyncadd.s32 $0xFFFFD800  }
0x3f: {  	[tilespmem:s15], [sflag:$0x1] =	stream.indirect.gather [hbm4b:s0+s14], $0x80, s20, s14, $0xb8;
	[tilespmem:$0x1F780] =	vst v63  }
.Ltmp0:
0x40: {  	_ = 	snop;
	(pc) =	sbr.rel @p0 .LBB2_2-.Ltmp0, $4  }
0x41: {  	s22 =	sadd.s32 $0x2800, s22  }
0x42: {  	[spmem:s3] =	stream.indirect.scatter.add.f32 [tilespmem:s17], [sflag:$0x2], $0x80, s22, s14, $0xb8;
	[tilespmem:$0x1F780] =	vst v63  }
0x43: {  	_ =	swait.ge [sflag:s12], $0x2800  }
0x44: {  	[sflag:s12] =	ssyncset.done $0x0  }
0x45: {  	[sflag:s12] =	ssyncadd.s32 $0xFFFFD800  }
0x46: {  	_ =	swait.ge [sflag:s16], $0x2800  }
0x47: {  	[sflag:s16] =	ssyncset.done $0x0  }
0x48: {  	[sflag:s16] =	ssyncadd.s32 $0xFFFFD800  }
0x49: {  	[spmem:s3] =	stream.indirect.scatter.add.f32 [tilespmem:s15], [sflag:$0x2], $0x80, s18, s14, $0xb8;
	[tilespmem:$0x1F780] =	vst v63  }
0x4a: {  	_ =	swait.ge [sflag:s12], $0x2800  }
0x4b: {  	s19 =	sadd.s32 $0x1, s19;
	[sflag:s12] =	ssyncset.done $0x0  }
0x4c: {  	p0 =	sne.s32 s19, s10;
	[sflag:s12] =	ssyncadd.s32 $0xFFFFD800  }
.Ltmp1:
0x4d: {  	[bflag:$0x0] =	sbarrier.arrive $0xFFFF;
	(pc) =	sbr.rel @p0 .LBB2_1-.Ltmp1, $4  }
0x4e: {  	[hbm:s9], [sflag:s6] =	dma.local [spmem:s11], $0x2800  }
0x4f: {  	_ =	swait.ge [sflag:s12], $0x2800  }
0x50: {  	[sflag:s12] =	ssyncset.done $0x0  }
0x51: {  	[sflag:s12] =	ssyncadd.s32 $0xFFFFD800  }
0x52: {  	_ =	sfence.sel $0x180000  }
0x53: {  	[bflag:$0x0] =	sbarrier.arrive $0xFFFF  }
0x54: {  	p0 =	sne.s32 s2, $0x0;
	_ =	strace $0x9000004A  }
0x55: {  	s0 =	sadd.s32 @!p0 $0x100000, s1;
	[bflag:$0x2] =	sbarrier.arrive $0xFFFF  }
0x56: {  	[sflag:s0] =	ssyncadd.tile.s32 @!p0 $0x1;
	_ =	shalt  }
.Lfunc_end2:
_tile_overlayer_lowered:
.L_overlay_start_2:
0x57: {  	(tag) =	ssettag $0x2  }
0x58: {  	s0 =	rddreg [dreg:$0x0];
	s2 =	stileid.u32  }
0x59: {  	s1 =	rddreg [dreg:$0x1];
	p0 =	sne.s32 s2, $0x0  }
0x5a: {  	s3 =	rddreg [dreg:$0x2];
	[bflag:$0x3] =	sbarrier.arrive $0xFFFF;
	s2 =	simm.s32 @!p0 $0x1C02  }
0x5b: {  	[timem:s3], [sflag:s2] =	dma.local @!p0 [hbm:s0], s1  }
0x5c: {  	s0 =	simm.s32 @!p0 $0x2  }
0x5d: {  	_ =	swait.ge @!p0 [sflag:s0], s1  }
0x5e: {  	s1 =	ssub.s32 @!p0 $0x0, s1;
	[sflag:s0] =	ssyncset.done @!p0 $0x0  }
0x5f: {  	[sflag:s0] =	ssyncadd.s32 @!p0 s1  }
0x60: {  	[bflag:$0x3] =	sbarrier.arrive $0xFFFF  }
0x61: {  	_ =	shalt  }

// kernel: sc_seg_agg.8.cloned.1.call-start
scs
__scs_entry_jumppad:
0x0: {  	(pc) =	sbr.rel $0x88, $3  }
0x1: {  	(tag) =	ssettag $0x0;
	lr =	simm.s32 $0x1  }
0x2: {  	[smem:$0x3F93] =	sst lr;
	_ =	strace $0xD0000000  }
0x3: {  	_ = 	snop  }
0x4: {  	_ = 	snop  }
0x5: {  	_ = 	snop  }
0x6: {  	_ = 	snop  }
0x7: {  	_ = 	snop  }
__scs_overlays_trampoline_lowered:
0x8: {  	[smem:$0x3FA2] =	sst s0  }
0x9: {  	[smem:$0x3FA3] =	sst s1  }
0xa: {  	[smem:$0x3FA4] =	sst s2  }
0xb: {  	[smem:$0x3FA5] =	sst s3  }
0xc: {  	[smem:$0x3FA6] =	sst s4  }
0xd: {  	[smem:$0x3FA7] =	sst s5  }
0xe: {  	[smem:$0x3FA8] =	sst s6  }
0xf: {  	[smem:$0x3FA9] =	sst s7  }
0x10: {  	[smem:$0x3FAA] =	sst s8  }
0x11: {  	[smem:$0x3FAB] =	sst s9;
	s0 =	simm.s32 @!p0 $0x0  }
0x12: {  	s1 =	sld [smem:$0x3F91];
	s0 =	simm.s32 @p0 $0x1  }
0x13: {  	[smem:$0x3FAC] =	sst s0;
	s0 =	simm.s32 @!p1 $0x0  }
0x14: {  	s2 =	sld [smem:$0x3F90];
	s0 =	simm.s32 @p1 $0x1  }
0x15: {  	[smem:$0x3FAD] =	sst s0;
	s0 =	simm.s32 @!p2 $0x0  }
0x16: {  	s3 =	sld [smem:$0x3FDB];
	s0 =	simm.s32 @p2 $0x1  }
0x17: {  	s4 =	simm.s32 $0x1BF5;
	[smem:$0x3FAF] =	sst s0  }
0x18: {  	s0 =	sld [smem:$0x3F92];
	_ =	swait.ge [sflag:s4], $0x0  }
0x19: {  	s7 =	sld [smem:$0x3F93]  }
0x1a: {  	s8 =	sadd.s32 $0xFFFFE003, lr  }
0x1b: {  	s9 =	sadd.s32 $0xFFFFFEF7, lr;
	s5 =	simm.s32 $0xFFFFFFFF;
	p2 =	slt.u32 s8, $0xFFFFF086  }
0x1c: {  	p1 =	slt.u32 s9, $0xF7A;
	s5 =	simm.s32 @!p2 $0x0  }
0x1d: {  	s5 =	simm.s32 @p1 $0x1;
	p0 =	seq.s32 s7, s2  }
0x1e: {  	s7 =	smul.u32 @!p0 $0xF7A, s2;
	p2 =	seq.s32 @!p0 s5, $0x0  }
0x1f: {  	s9 =	smul.u32 $0xF7A, s1;
	s8 =	simm.s32 @!p0 $0x1BF5;
	p2 =	por !p2, p0  }
0x20: {  	[sflag:s8] =	ssyncset.s32 @!p0 $0xFFFFF086;
	s6 =	sadd.s32 @!p0 s3, s7;
	s7 =	simm.s32 @!p0 $0x108  }
0x21: {  	s3 =	sadd.s32 s3, s9;
	s6 =	sadd.s32 @!p0 $0x88, s6;
	s7 =	simm.s32 @p2 $0x1082  }
0x22: {  	[simem:s7], [sflag:s8] =	dma.local @!p0 [hbm:s6], $0xF7A  }
0x23: {  	s9 =	sor.u32 $0xD0000000, s2;
	s6 =	simm.s32 $0x108;
	_ =	swait.ge @!p0 [sflag:s8], $0x0  }
0x24: {  	s3 =	sadd.s32 $0x88, s3;
	s6 =	simm.s32 @!p1 $0x1082;
	[sflag:s4] =	ssyncset.s32 $0xFFFFF086  }
0x25: {  	[simem:s6], [sflag:s4] =	dma.local [hbm:s3], $0xF7A  }
0x26: {  	[smem:$0x3F93] =	sst s1;
	(tag) =	ssettag s2;
	_ =	strace s9  }
0x27: {  	s1 =	sld [smem:$0x3FA3]  }
0x28: {  	s2 =	sld [smem:$0x3FA4]  }
0x29: {  	s4 =	sld [smem:$0x3FA6]  }
0x2a: {  	p0 =	seq.s32 s5, $0x0;
	s5 =	sld [smem:$0x3FA7]  }
0x2b: {  	s6 =	sld [smem:$0x3FA8]  }
0x2c: {  	s7 =	sld [smem:$0x3FA9]  }
0x2d: {  	s3 =	simm.s32 $0x108;
	s8 =	sld [smem:$0x3FAA]  }
0x2e: {  	s3 =	simm.s32 @!p0 $0x1082;
	s9 =	sld [smem:$0x3FAB]  }
0x2f: {  	lr =	sadd.s32 s0, s3;
	s0 =	sld [smem:$0x3FA2]  }
0x30: {  	s3 =	sld [smem:$0x3FA5]  }
0x31: {  	[smem:$0x3FAE] =	sst s10  }
0x32: {  	s10 =	sld [smem:$0x3FAC];
	_ =	sdelay $0x3  }
0x33: {  	p0 =	seq.s32 s10, $0x1;
	s10 =	sld [smem:$0x3FAE];
	_ =	sdelay $0x3  }
0x34: {  	[smem:$0x3FAE] =	sst s10  }
0x35: {  	s10 =	sld [smem:$0x3FAD];
	_ =	sdelay $0x3  }
0x36: {  	p1 =	seq.s32 s10, $0x1;
	s10 =	sld [smem:$0x3FAE];
	_ =	sdelay $0x3  }
0x37: {  	[smem:$0x3FAE] =	sst s10  }
0x38: {  	s10 =	sld [smem:$0x3FAF]  }
0x39: {  	_ = 	snop;
	(pc) =	sbr.ind lr, $3  }
0x3a: {  	_ = 	snop  }
0x3b: {  	_ = 	snop  }
0x3c: {  	p2 =	seq.s32 s10, $0x1;
	s10 =	sld [smem:$0x3FAE]  }
0x3d: {  	_ =	shalt  }
0x3e: {  	_ =	shalt  }
0x3f: {  	_ =	shalt  }
0x40: {  	_ =	shalt  }
0x41: {  	_ =	shalt  }
0x42: {  	_ =	shalt  }
0x43: {  	_ =	shalt  }
0x44: {  	_ =	shalt  }
0x45: {  	_ =	shalt  }
0x46: {  	_ =	shalt  }
0x47: {  	_ =	shalt  }
0x48: {  	_ =	shalt  }
0x49: {  	_ =	shalt  }
0x4a: {  	_ =	shalt  }
0x4b: {  	_ =	shalt  }
0x4c: {  	_ =	shalt  }
0x4d: {  	_ =	shalt  }
0x4e: {  	_ =	shalt  }
0x4f: {  	_ =	shalt  }
0x50: {  	_ =	shalt  }
0x51: {  	_ =	shalt  }
0x52: {  	_ =	shalt  }
0x53: {  	_ =	shalt  }
0x54: {  	_ =	shalt  }
0x55: {  	_ =	shalt  }
0x56: {  	_ =	shalt  }
0x57: {  	_ =	shalt  }
0x58: {  	_ =	shalt  }
0x59: {  	_ =	shalt  }
0x5a: {  	_ =	shalt  }
0x5b: {  	_ =	shalt  }
0x5c: {  	_ =	shalt  }
0x5d: {  	_ =	shalt  }
0x5e: {  	_ =	shalt  }
0x5f: {  	_ =	shalt  }
0x60: {  	_ =	shalt  }
0x61: {  	_ =	shalt  }
0x62: {  	_ =	shalt  }
0x63: {  	_ =	shalt  }
0x64: {  	_ =	shalt  }
0x65: {  	_ =	shalt  }
0x66: {  	_ =	shalt  }
0x67: {  	_ =	shalt  }
0x68: {  	_ =	shalt  }
0x69: {  	_ =	shalt  }
0x6a: {  	_ =	shalt  }
0x6b: {  	_ =	shalt  }
0x6c: {  	_ =	shalt  }
0x6d: {  	_ =	shalt  }
0x6e: {  	_ =	shalt  }
0x6f: {  	_ =	shalt  }
0x70: {  	_ =	shalt  }
0x71: {  	_ =	shalt  }
0x72: {  	_ =	shalt  }
0x73: {  	_ =	shalt  }
0x74: {  	_ =	shalt  }
0x75: {  	_ =	shalt  }
0x76: {  	_ =	shalt  }
0x77: {  	_ =	shalt  }
0x78: {  	_ =	shalt  }
0x79: {  	_ =	shalt  }
0x7a: {  	_ =	shalt  }
0x7b: {  	_ =	shalt  }
0x7c: {  	_ =	shalt  }
0x7d: {  	_ =	shalt  }
0x7e: {  	_ =	shalt  }
0x7f: {  	_ =	shalt  }
0x80: {  	_ =	shalt  }
0x81: {  	_ =	shalt  }
0x82: {  	_ =	shalt  }
0x83: {  	_ =	shalt  }
0x84: {  	_ =	shalt  }
0x85: {  	_ =	shalt  }
0x86: {  	_ =	shalt  }
0x87: {  	_ =	shalt  }
.Lfunc_end0:
.L_simem_size_0:
called_computation.2_lowered:
.L_overlay_start_0:
0x88: {  	s2 =	sld [smem:$0x3FD9]  }
0x89: {  	s3 =	sld [smem:$0x3FFE];
	_ =	sdelay $0x1  }
0x8a: {  	s1 =	srdreg.scid  }
0x8b: {  	s0 =	sand.u32 $0x1, s1  }
0x8c: {  	s14 =	sshll.u32 s0, $0xA;
	s2 =	sadd.s32 s3, s2  }
0x8d: {  	s2 =	sadd.s32 s2, s14  }
0x8e: {  	[smem:$0x3FBA] =	sst s2  }
0x8f: {  	_ = 	snop  }
0x90: {  	s2 =	sld [smem:$0x3FD0];
	_ =	sdelay $0x2  }
0x91: {  	s15 =	simm.s32 $0xB;
	s4 =	simm.s32 $0x10  }
0x92: {  	[smem:s4], [sflag:s15] =	dma.local [hbm:s2], $0x1  }
0x93: {  	_ =	swait.eq [sflag:s15], $0x1  }
0x94: {  	[sflag:s15] =	ssyncset.done $0x0  }
0x95: {  	s16 =	sld [smem:$0x10];
	[sflag:s15] =	ssyncadd.s32 $0xFFFFFFFF  }
0x96: {  	s17 =	sld [smem:$0x11];
	(tm) =	ssettm $0x1  }
0x97: {  	s18 =	sld [smem:$0x3FFB];
	_ =	sdelay $0x3  }
0x98: {  	_ =	strace s18  }
0x99: {  	s4 =	sld [smem:$0x3FFC];
	_ =	sdelay $0x3  }
0x9a: {  	_ =	strace s4  }
0x9b: {  	s4 =	sld [smem:$0x3FFD];
	_ =	sdelay $0x3  }
0x9c: {  	_ =	strace s4  }
0x9d: {  	_ =	strace $0x8FFFFFFF  }
0x9e: {  	s19 =	sld [smem:$0x3FDB];
	_ =	sdelay $0x1  }
0x9f: {  	s5 =	simm.s32 $_scs_section_size  }
0xa0: {  	s6 =	simm.s32 $_size__tile_overlayer_lowered;
	s7 =	simm.s32 $_tile_overlayer_lowered  }
0xa1: {  	s22 =	simm.s32 $0x1BFF;
	s21 =	sshll.u32 s7, $0x1;
	s4 =	sadd.s32 s5, s19  }
0xa2: {  	s8 =	simm.s32 $0x0;
	s20 =	sshll.u32 s6, $0x1;
	s6 =	sadd.s32 s21, s4  }
0xa3: {  	[timem:s8], [sflag:s22] =	dma.local [hbm:s6], s20  }
0xa4: {  	_ =	swait.ge [sflag:s22], s20  }
0xa5: {  	s5 =	ssub.s32 $0x0, s20;
	[sflag:s22] =	ssyncset.done $0x0  }
0xa6: {  	[sflag:s22] =	ssyncadd.s32 s5;
	_ =	sdelay $0x1  }
0xa7: {  	s23 =	simm.s32 $0x1B8B  }
0xa8: {  	_ =	swait.ge [sflag:s23], $0x1  }
0xa9: {  	[sflag:s23] =	ssyncset.done $0x0  }
0xaa: {  	s25 =	simm.s32 $0x1B8E;
	s24 =	sld [smem:$0x3FFE];
	[sflag:s23] =	ssyncadd.s32 $0xFFFFFFFF  }
0xab: {  	s26 =	simm.s32 $execute0_lowered;
	[smem:$0x3FD2] =	sst s25  }
0xac: {  	s6 =	sshll.u32 s26, $0x1;
	_ =	strace $0x8000004C;
	[dreg:$0x1] =	wrdreg $0xFFFFFFFF  }
0xad: {  	s28 =	simm.s32 $_size_execute0_lowered;
	s4 =	sadd.s32 s4, s6;
	[dreg:$0x0] =	wrdreg $0x0  }
0xae: {  	s6 =	sshll.u32 s28, $0x1;
	[dreg:$0x2] =	wrdreg s4  }
0xaf: {  	[dreg:$0x3] =	wrdreg s6  }
0xb0: {  	[dreg:$0x4] =	wrdreg $0xC0  }
0xb1: {  	_ =	task [dreg:s8], $0x5FFFF  }
0xb2: {  	[dreg:$0x1] =	wrdreg $0xFFFFFFFF  }
0xb3: {  	[dreg:$0x0] =	wrdreg $0x60  }
0xb4: {  	[dreg:$0x2] =	wrdreg s24  }
0xb5: {  	[dreg:$0x3] =	wrdreg s16  }
0xb6: {  	[dreg:$0x4] =	wrdreg s17  }
0xb7: {  	[dreg:$0x5] =	wrdreg $0xB7800  }
0xb8: {  	[dreg:$0x6] =	wrdreg $0x9  }
0xb9: {  	_ =	task.clear_ibuf [dreg:s8], $0x7FFFF;
	_ =	strace $0x9000004C  }
0xba: {  	s29 =	simm.s32 $0x9;
	_ =	strace $0x8000004E  }
0xbb: {  	_ =	swait.ge [sflag:s29], $0x1  }
0xbc: {  	[sflag:s29] =	ssyncadd.s32 $0xFFFFFFFF  }
0xbd: {  	_ =	strace $0x9000004E  }
0xbe: {  	_ =	sfence  }
0xbf: {  	s30 =	sld [smem:$0x0];
	_ =	sdelay $0x2  }
0xc0: {  	s31 =	sshll.u32 s1, $0xD;
	s1 =	sshrl.u32 s1, $0x2  }
0xc1: {  	s3 =	sand.u32 $0x4000, s31;
	s1 =	sadd.s32 s1, s30  }
0xc2: {  	s0 =	sor.u32 s3, s0;
	s1 =	sshll.u32 s1, $0x11  }
0xc3: {  	s0 =	sor.u32 s1, s0  }
0xc4: {  	s0 =	sadd.s32 $0x8F2B, s0  }
0xc5: {  	[sflag:s0] =	ssyncadd.remote.s32 $0x1  }
0xc6: {  	_ =	sfence.sel $0xFFFF  }
0xc7: {  	[dreg:$0x0] =	wrdreg $0xFFFFFFFF;
	(pc) =	sbr.abs _section_cstart, $3  }
0xc8: {  	[dreg:$0x1] =	wrdreg $0xFFFFFFFF  }
0xc9: {  	_ =	task.clear_ibuf [dreg:s8], $0x2FFFF;
	_ =	strace $0x9FFFFFFF  }
0xca: {  	(tm) =	ssettm $0x7FFFFFFF  }
0xcb: {  	_ =	shalt  }
tec
execute0_lowered:
.L_overlay_start_1:
0x0: {  	(tag) =	ssettag $0x1  }
0x1: {  	s6 =	rddreg [dreg:$0x0]  }
0x2: {  	s7 =	rddreg [dreg:$0x1]  }
0x3: {  	s8 =	rddreg [dreg:$0x2]  }
0x4: {  	s1 =	rddreg [dreg:$0x3]  }
0x5: {  	s2 =	srdreg.scid;
	s0 =	rddreg [dreg:$0x4];
	s3 =	simm.s32 $0x0  }
0x6: {  	s14 =	simm.s32 $0x50;
	s15 =	simm.s32 $0x6780;
	s16 =	simm.s32 $0x1  }
0x7: {  	s17 =	simm.s32 $0x8F80;
	s18 =	simm.s32 $0x6580;
	s19 =	simm.s32 $0x0  }
0x8: {  	s9 =	sand.u32 $0x1, s2;
	s2 =	stileid.u32;
	[smem:$0x7FF] =	sst s3  }
0x9: {  	s4 =	sadd.s32 $0x5200, s6;
	s5 =	sadd.s32 $0x2A00, s6;
	s10 =	smul.u32 $0x140000, s9  }
0xa: {  	s11 =	smul.u32 $0x14000, s2;
	_ =	strace $0x8000004D;
	s26 =	sshll.u32 s9, $0x4  }
0xb: {  	s12 =	smul.u32 $0x50000, s2;
	s28 =	ssub.s32 $0x2, s9;
	s31 =	sshll.u32 s2, $0x6  }
0xc: {  	s29 =	sor.u32 s2, s26;
	s30 =	sshrl.u32 s28, $0x1;
	s10 =	sadd.s32 s11, s10  }
0xd: {  	s12 =	sshrl.u32 s12, $0x2;
	s13 =	smul.u32 $0x4E2, s29;
	s11 =	ssub.s32 s28, s30  }
0xe: {  	s9 =	sshll.u32 s29, $0xB;
	s10 =	sshrl.u32 s10, $0x3;
	s12 =	sadd.s32 s12, s1  }
0xf: {  	s8 =	sadd.s32 s8, s9;
	s10 =	sadd.s32 s10, s6;
	s6 =	sor.u32 $0x1C02, s31  }
0x10: {  	s7 =	sadd.s32 s7, s13;
	s13 =	simm.s32 $0x2780;
	s9 =	sadd.s32 $0x2C400, s10  }
0x11: {  	s10 =	smax.u32 s11, $0x1;
	s11 =	sshrl.u32 s12, $0x3;
	s12 =	simm.s32 $0x2  }
.LBB2_1:
0x12: {  	[spmem:s11], [sflag:s6] =	dma.local [hbm:s5], $0x2800  }
0x13: {  	_ =	swait.ge [sflag:s12], $0x2800  }
0x14: {  	[sflag:s12] =	ssyncset.done $0x0  }
0x15: {  	[sflag:s12] =	ssyncadd.s32 $0xFFFFD800  }
0x16: {  	[tilespmem:s3], [sflag:$0x2] =	stream.linear.gather [hbm4b:s7+s3], $0x2710, $0x38;
	[tilespmem:$0x1F780] =	vst v63  }
0x17: {  	_ =	swait.ge [sflag:s12], $0x2710  }
0x18: {  	[sflag:s12] =	ssyncset.done $0x0  }
0x19: {  	[sflag:s12] =	ssyncadd.s32 $0xFFFFD8F0  }
0x1a: {  	[tilespmem:s13], [sflag:$0x2] =	stream.linear.gather [hbm4b:s8+s3], $0x3E80, $0x38;
	[tilespmem:$0x1F780] =	vst v63  }
0x1b: {  	_ =	swait.ge [sflag:s12], $0x3E80  }
0x1c: {  	[sflag:s12] =	ssyncset.done $0x0  }
0x1d: {  	[sflag:s12] =	ssyncadd.s32 $0xFFFFC180  }
0x1e: {  	[bflag:$0x0] =	sbarrier.arrive $0xFFFF  }
0x1f: {  	[tilespmem:s15], [sflag:$0x1] =	stream.indirect.gather [hbm4b:s4+s14], $0x80, s3, s14, $0xb8;
	[tilespmem:$0x1F780] =	vst v63  }
0x20: {  	_ =	swait.ge [sflag:s16], $0x2800  }
0x21: {  	[sflag:s16] =	ssyncset.done $0x0  }
0x22: {  	s20 =	simm.s32 $0x50;
	[sflag:s16] =	ssyncadd.s32 $0xFFFFD800  }
0x23: {  	[tilespmem:s17], [sflag:$0x1] =	stream.indirect.gather [hbm4b:s4+s14], $0x80, s20, s14, $0xb8;
	[tilespmem:$0x1F780] =	vst v63  }
0x24: {  	s31 =	simm.s32 $0x2780  }
0x25: {  	[spmem:s1] =	stream.indirect.scatter.add.f32 [tilespmem:s15], [sflag:$0x2], $0x80, s31, s14, $0xb8;
	[tilespmem:$0x1F780] =	vst v63  }
0x26: {  	_ =	swait.ge [sflag:s12], $0x2800  }
0x27: {  	[sflag:s12] =	ssyncset.done $0x0  }
0x28: {  	[sflag:s12] =	ssyncadd.s32 $0xFFFFD800  }
0x29: {  	_ =	swait.ge [sflag:s16], $0x2800  }
0x2a: {  	[sflag:s16] =	ssyncset.done $0x0  }
0x2b: {  	s20 =	simm.s32 $0xA0;
	[sflag:s16] =	ssyncadd.s32 $0xFFFFD800  }
0x2c: {  	[tilespmem:s15], [sflag:$0x1] =	stream.indirect.gather [hbm4b:s4+s14], $0x80, s20, s14, $0xb8;
	[tilespmem:$0x1F780] =	vst v63  }
0x2d: {  	s21 =	simm.s32 $0x2800  }
0x2e: {  	[spmem:s1] =	stream.indirect.scatter.add.f32 [tilespmem:s17], [sflag:$0x2], $0x80, s21, s14, $0xb8;
	[tilespmem:$0x1F780] =	vst v63  }
0x2f: {  	_ =	swait.ge [sflag:s12], $0x2800  }
0x30: {  	s21 =	simm.s32 $0x400;
	[sflag:s12] =	ssyncset.done $0x0  }
.LBB2_2:
0x31: {  	p0 =	sne.s32 s21, $0xF400;
	[sflag:s12] =	ssyncadd.s32 $0xFFFFD800;
	s20 =	sadd.s32 $0xA0, s20  }
0x32: {  	s22 =	smov.u32 s21;
	s21 =	sadd.s32 $0x400, s21  }
0x33: {  	_ =	swait.ge [sflag:s16], $0x2800  }
0x34: {  	[sflag:s16] =	ssyncset.done $0x0  }
0x35: {  	s23 =	sadd.s32 $0xFFFFFFB0, s20;
	s22 =	sshra.s32 s22, $0x2;
	[sflag:s16] =	ssyncadd.s32 $0xFFFFD800  }
0x36: {  	[tilespmem:s17], [sflag:$0x1] =	stream.indirect.gather [hbm4b:s4+s14], $0x80, s23, s14, $0xb8;
	[tilespmem:$0x1F780] =	vst v63  }
0x37: {  	s23 =	sadd.s32 $0x2780, s22  }
0x38: {  	[spmem:s1] =	stream.indirect.scatter.add.f32 [tilespmem:s15], [sflag:$0x2], $0x80, s23, s14, $0xb8;
	[tilespmem:$0x1F780] =	vst v63  }
0x39: {  	_ =	swait.ge [sflag:s12], $0x2800  }
0x3a: {  	[sflag:s12] =	ssyncset.done $0x0  }
0x3b: {  	[sflag:s12] =	ssyncadd.s32 $0xFFFFD800  }
0x3c: {  	_ =	swait.ge [sflag:s16], $0x2800  }
0x3d: {  	[sflag:s16] =	ssyncset.done $0x0  }
0x3e: {  	[sflag:s16] =	ssyncadd.s32 $0xFFFFD800  }
0x3f: {  	[tilespmem:s15], [sflag:$0x1] =	stream.indirect.gather [hbm4b:s4+s14], $0x80, s20, s14, $0xb8;
	[tilespmem:$0x1F780] =	vst v63  }
.Ltmp0:
0x40: {  	_ = 	snop;
	(pc) =	sbr.rel @p0 .LBB2_2-.Ltmp0, $4  }
0x41: {  	s22 =	sadd.s32 $0x2800, s22  }
0x42: {  	[spmem:s1] =	stream.indirect.scatter.add.f32 [tilespmem:s17], [sflag:$0x2], $0x80, s22, s14, $0xb8;
	[tilespmem:$0x1F780] =	vst v63  }
0x43: {  	_ =	swait.ge [sflag:s12], $0x2800  }
0x44: {  	[sflag:s12] =	ssyncset.done $0x0  }
0x45: {  	[sflag:s12] =	ssyncadd.s32 $0xFFFFD800  }
0x46: {  	_ =	swait.ge [sflag:s16], $0x2800  }
0x47: {  	[sflag:s16] =	ssyncset.done $0x0  }
0x48: {  	[sflag:s16] =	ssyncadd.s32 $0xFFFFD800  }
0x49: {  	[spmem:s1] =	stream.indirect.scatter.add.f32 [tilespmem:s15], [sflag:$0x2], $0x80, s18, s14, $0xb8;
	[tilespmem:$0x1F780] =	vst v63  }
0x4a: {  	_ =	swait.ge [sflag:s12], $0x2800  }
0x4b: {  	s19 =	sadd.s32 $0x1, s19;
	[sflag:s12] =	ssyncset.done $0x0  }
0x4c: {  	p0 =	sne.s32 s19, s10;
	[sflag:s12] =	ssyncadd.s32 $0xFFFFD800  }
.Ltmp1:
0x4d: {  	[bflag:$0x0] =	sbarrier.arrive $0xFFFF;
	(pc) =	sbr.rel @p0 .LBB2_1-.Ltmp1, $4  }
0x4e: {  	[hbm:s9], [sflag:s6] =	dma.local [spmem:s11], $0x2800  }
0x4f: {  	_ =	swait.ge [sflag:s12], $0x2800  }
0x50: {  	[sflag:s12] =	ssyncset.done $0x0  }
0x51: {  	[sflag:s12] =	ssyncadd.s32 $0xFFFFD800  }
0x52: {  	_ =	sfence.sel $0x180000  }
0x53: {  	[bflag:$0x0] =	sbarrier.arrive $0xFFFF  }
0x54: {  	p0 =	sne.s32 s2, $0x0;
	_ =	strace $0x9000004D  }
0x55: {  	s0 =	sadd.s32 @!p0 $0x100000, s0;
	[bflag:$0x2] =	sbarrier.arrive $0xFFFF  }
0x56: {  	[sflag:s0] =	ssyncadd.tile.s32 @!p0 $0x1;
	_ =	shalt  }
.Lfunc_end2:
_tile_overlayer_lowered:
.L_overlay_start_2:
0x57: {  	(tag) =	ssettag $0x2  }
0x58: {  	s0 =	rddreg [dreg:$0x0];
	s2 =	stileid.u32  }
0x59: {  	s1 =	rddreg [dreg:$0x1];
	p0 =	sne.s32 s2, $0x0  }
0x5a: {  	s3 =	rddreg [dreg:$0x2];
	[bflag:$0x3] =	sbarrier.arrive $0xFFFF;
	s2 =	simm.s32 @!p0 $0x1C02  }
0x5b: {  	[timem:s3], [sflag:s2] =	dma.local @!p0 [hbm:s0], s1  }
0x5c: {  	s0 =	simm.s32 @!p0 $0x2  }
0x5d: {  	_ =	swait.ge @!p0 [sflag:s0], s1  }
0x5e: {  	s1 =	ssub.s32 @!p0 $0x0, s1;
	[sflag:s0] =	ssyncset.done @!p0 $0x0  }
0x5f: {  	[sflag:s0] =	ssyncadd.s32 @!p0 s1  }
0x60: {  	[bflag:$0x3] =	sbarrier.arrive $0xFFFF  }
0x61: {  	_ =	shalt  }

// kernel: sc_seg_cnt.3.cloned.1.call-start
scs
__scs_entry_jumppad:
0x0: {  	(pc) =	sbr.rel $0x88, $3  }
0x1: {  	(tag) =	ssettag $0x0;
	lr =	simm.s32 $0x1  }
0x2: {  	[smem:$0x3F93] =	sst lr;
	_ =	strace $0xD0000000  }
0x3: {  	_ = 	snop  }
0x4: {  	_ = 	snop  }
0x5: {  	_ = 	snop  }
0x6: {  	_ = 	snop  }
0x7: {  	_ = 	snop  }
__scs_overlays_trampoline_lowered:
0x8: {  	[smem:$0x3FA2] =	sst s0  }
0x9: {  	[smem:$0x3FA3] =	sst s1  }
0xa: {  	[smem:$0x3FA4] =	sst s2  }
0xb: {  	[smem:$0x3FA5] =	sst s3  }
0xc: {  	[smem:$0x3FA6] =	sst s4  }
0xd: {  	[smem:$0x3FA7] =	sst s5  }
0xe: {  	[smem:$0x3FA8] =	sst s6  }
0xf: {  	[smem:$0x3FA9] =	sst s7  }
0x10: {  	[smem:$0x3FAA] =	sst s8  }
0x11: {  	[smem:$0x3FAB] =	sst s9;
	s0 =	simm.s32 @!p0 $0x0  }
0x12: {  	s1 =	sld [smem:$0x3F91];
	s0 =	simm.s32 @p0 $0x1  }
0x13: {  	[smem:$0x3FAC] =	sst s0;
	s0 =	simm.s32 @!p1 $0x0  }
0x14: {  	s2 =	sld [smem:$0x3F90];
	s0 =	simm.s32 @p1 $0x1  }
0x15: {  	[smem:$0x3FAD] =	sst s0;
	s0 =	simm.s32 @!p2 $0x0  }
0x16: {  	s3 =	sld [smem:$0x3FDB];
	s0 =	simm.s32 @p2 $0x1  }
0x17: {  	s4 =	simm.s32 $0x1BF5;
	[smem:$0x3FAF] =	sst s0  }
0x18: {  	s0 =	sld [smem:$0x3F92];
	_ =	swait.ge [sflag:s4], $0x0  }
0x19: {  	s7 =	sld [smem:$0x3F93]  }
0x1a: {  	s8 =	sadd.s32 $0xFFFFE003, lr  }
0x1b: {  	s9 =	sadd.s32 $0xFFFFFEF7, lr;
	s5 =	simm.s32 $0xFFFFFFFF;
	p2 =	slt.u32 s8, $0xFFFFF086  }
0x1c: {  	p1 =	slt.u32 s9, $0xF7A;
	s5 =	simm.s32 @!p2 $0x0  }
0x1d: {  	s5 =	simm.s32 @p1 $0x1;
	p0 =	seq.s32 s7, s2  }
0x1e: {  	s7 =	smul.u32 @!p0 $0xF7A, s2;
	p2 =	seq.s32 @!p0 s5, $0x0  }
0x1f: {  	s9 =	smul.u32 $0xF7A, s1;
	s8 =	simm.s32 @!p0 $0x1BF5;
	p2 =	por !p2, p0  }
0x20: {  	[sflag:s8] =	ssyncset.s32 @!p0 $0xFFFFF086;
	s6 =	sadd.s32 @!p0 s3, s7;
	s7 =	simm.s32 @!p0 $0x108  }
0x21: {  	s3 =	sadd.s32 s3, s9;
	s6 =	sadd.s32 @!p0 $0x88, s6;
	s7 =	simm.s32 @p2 $0x1082  }
0x22: {  	[simem:s7], [sflag:s8] =	dma.local @!p0 [hbm:s6], $0xF7A  }
0x23: {  	s9 =	sor.u32 $0xD0000000, s2;
	s6 =	simm.s32 $0x108;
	_ =	swait.ge @!p0 [sflag:s8], $0x0  }
0x24: {  	s3 =	sadd.s32 $0x88, s3;
	s6 =	simm.s32 @!p1 $0x1082;
	[sflag:s4] =	ssyncset.s32 $0xFFFFF086  }
0x25: {  	[simem:s6], [sflag:s4] =	dma.local [hbm:s3], $0xF7A  }
0x26: {  	[smem:$0x3F93] =	sst s1;
	(tag) =	ssettag s2;
	_ =	strace s9  }
0x27: {  	s1 =	sld [smem:$0x3FA3]  }
0x28: {  	s2 =	sld [smem:$0x3FA4]  }
0x29: {  	s4 =	sld [smem:$0x3FA6]  }
0x2a: {  	p0 =	seq.s32 s5, $0x0;
	s5 =	sld [smem:$0x3FA7]  }
0x2b: {  	s6 =	sld [smem:$0x3FA8]  }
0x2c: {  	s7 =	sld [smem:$0x3FA9]  }
0x2d: {  	s3 =	simm.s32 $0x108;
	s8 =	sld [smem:$0x3FAA]  }
0x2e: {  	s3 =	simm.s32 @!p0 $0x1082;
	s9 =	sld [smem:$0x3FAB]  }
0x2f: {  	lr =	sadd.s32 s0, s3;
	s0 =	sld [smem:$0x3FA2]  }
0x30: {  	s3 =	sld [smem:$0x3FA5]  }
0x31: {  	[smem:$0x3FAE] =	sst s10  }
0x32: {  	s10 =	sld [smem:$0x3FAC];
	_ =	sdelay $0x3  }
0x33: {  	p0 =	seq.s32 s10, $0x1;
	s10 =	sld [smem:$0x3FAE];
	_ =	sdelay $0x3  }
0x34: {  	[smem:$0x3FAE] =	sst s10  }
0x35: {  	s10 =	sld [smem:$0x3FAD];
	_ =	sdelay $0x3  }
0x36: {  	p1 =	seq.s32 s10, $0x1;
	s10 =	sld [smem:$0x3FAE];
	_ =	sdelay $0x3  }
0x37: {  	[smem:$0x3FAE] =	sst s10  }
0x38: {  	s10 =	sld [smem:$0x3FAF]  }
0x39: {  	_ = 	snop;
	(pc) =	sbr.ind lr, $3  }
0x3a: {  	_ = 	snop  }
0x3b: {  	_ = 	snop  }
0x3c: {  	p2 =	seq.s32 s10, $0x1;
	s10 =	sld [smem:$0x3FAE]  }
0x3d: {  	_ =	shalt  }
0x3e: {  	_ =	shalt  }
0x3f: {  	_ =	shalt  }
0x40: {  	_ =	shalt  }
0x41: {  	_ =	shalt  }
0x42: {  	_ =	shalt  }
0x43: {  	_ =	shalt  }
0x44: {  	_ =	shalt  }
0x45: {  	_ =	shalt  }
0x46: {  	_ =	shalt  }
0x47: {  	_ =	shalt  }
0x48: {  	_ =	shalt  }
0x49: {  	_ =	shalt  }
0x4a: {  	_ =	shalt  }
0x4b: {  	_ =	shalt  }
0x4c: {  	_ =	shalt  }
0x4d: {  	_ =	shalt  }
0x4e: {  	_ =	shalt  }
0x4f: {  	_ =	shalt  }
0x50: {  	_ =	shalt  }
0x51: {  	_ =	shalt  }
0x52: {  	_ =	shalt  }
0x53: {  	_ =	shalt  }
0x54: {  	_ =	shalt  }
0x55: {  	_ =	shalt  }
0x56: {  	_ =	shalt  }
0x57: {  	_ =	shalt  }
0x58: {  	_ =	shalt  }
0x59: {  	_ =	shalt  }
0x5a: {  	_ =	shalt  }
0x5b: {  	_ =	shalt  }
0x5c: {  	_ =	shalt  }
0x5d: {  	_ =	shalt  }
0x5e: {  	_ =	shalt  }
0x5f: {  	_ =	shalt  }
0x60: {  	_ =	shalt  }
0x61: {  	_ =	shalt  }
0x62: {  	_ =	shalt  }
0x63: {  	_ =	shalt  }
0x64: {  	_ =	shalt  }
0x65: {  	_ =	shalt  }
0x66: {  	_ =	shalt  }
0x67: {  	_ =	shalt  }
0x68: {  	_ =	shalt  }
0x69: {  	_ =	shalt  }
0x6a: {  	_ =	shalt  }
0x6b: {  	_ =	shalt  }
0x6c: {  	_ =	shalt  }
0x6d: {  	_ =	shalt  }
0x6e: {  	_ =	shalt  }
0x6f: {  	_ =	shalt  }
0x70: {  	_ =	shalt  }
0x71: {  	_ =	shalt  }
0x72: {  	_ =	shalt  }
0x73: {  	_ =	shalt  }
0x74: {  	_ =	shalt  }
0x75: {  	_ =	shalt  }
0x76: {  	_ =	shalt  }
0x77: {  	_ =	shalt  }
0x78: {  	_ =	shalt  }
0x79: {  	_ =	shalt  }
0x7a: {  	_ =	shalt  }
0x7b: {  	_ =	shalt  }
0x7c: {  	_ =	shalt  }
0x7d: {  	_ =	shalt  }
0x7e: {  	_ =	shalt  }
0x7f: {  	_ =	shalt  }
0x80: {  	_ =	shalt  }
0x81: {  	_ =	shalt  }
0x82: {  	_ =	shalt  }
0x83: {  	_ =	shalt  }
0x84: {  	_ =	shalt  }
0x85: {  	_ =	shalt  }
0x86: {  	_ =	shalt  }
0x87: {  	_ =	shalt  }
.Lfunc_end0:
.L_simem_size_0:
called_computation_lowered:
.L_overlay_start_0:
0x88: {  	s2 =	sld [smem:$0x3FD9]  }
0x89: {  	s3 =	sld [smem:$0x3FFE];
	_ =	sdelay $0x1  }
0x8a: {  	s1 =	srdreg.scid  }
0x8b: {  	s0 =	sand.u32 $0x1, s1  }
0x8c: {  	s14 =	sshll.u32 s0, $0xA;
	s2 =	sadd.s32 s3, s2  }
0x8d: {  	s2 =	sadd.s32 s2, s14  }
0x8e: {  	[smem:$0x3FBA] =	sst s2  }
0x8f: {  	_ = 	snop  }
0x90: {  	s2 =	sld [smem:$0x3FD0];
	_ =	sdelay $0x2  }
0x91: {  	s15 =	simm.s32 $0xB;
	s4 =	simm.s32 $0x10  }
0x92: {  	[smem:s4], [sflag:s15] =	dma.local [hbm:s2], $0x1  }
0x93: {  	_ =	swait.eq [sflag:s15], $0x1  }
0x94: {  	[sflag:s15] =	ssyncset.done $0x0  }
0x95: {  	[sflag:s15] =	ssyncadd.s32 $0xFFFFFFFF  }
0x96: {  	s16 =	sld [smem:$0x11];
	(tm) =	ssettm $0x1  }
0x97: {  	s17 =	sld [smem:$0x3FFB];
	_ =	sdelay $0x3  }
0x98: {  	_ =	strace s17  }
0x99: {  	s3 =	sld [smem:$0x3FFC];
	_ =	sdelay $0x3  }
0x9a: {  	_ =	strace s3  }
0x9b: {  	s3 =	sld [smem:$0x3FFD];
	_ =	sdelay $0x3  }
0x9c: {  	_ =	strace s3  }
0x9d: {  	_ =	strace $0x8FFFFFFF  }
0x9e: {  	s18 =	sld [smem:$0x3FDB];
	_ =	sdelay $0x1  }
0x9f: {  	s19 =	simm.s32 $_scs_section_size  }
0xa0: {  	s5 =	simm.s32 $_size__tile_overlayer_lowered;
	s6 =	simm.s32 $_tile_overlayer_lowered  }
0xa1: {  	s22 =	simm.s32 $0x1BFF;
	s21 =	sshll.u32 s6, $0x1;
	s3 =	sadd.s32 s19, s18  }
0xa2: {  	s7 =	simm.s32 $0x0;
	s20 =	sshll.u32 s5, $0x1;
	s5 =	sadd.s32 s21, s3  }
0xa3: {  	[timem:s7], [sflag:s22] =	dma.local [hbm:s5], s20  }
0xa4: {  	_ =	swait.ge [sflag:s22], s20  }
0xa5: {  	s4 =	ssub.s32 $0x0, s20;
	[sflag:s22] =	ssyncset.done $0x0  }
0xa6: {  	[sflag:s22] =	ssyncadd.s32 s4;
	_ =	sdelay $0x1  }
0xa7: {  	s23 =	simm.s32 $0x1B8B  }
0xa8: {  	_ =	swait.ge [sflag:s23], $0x1  }
0xa9: {  	[sflag:s23] =	ssyncset.done $0x0  }
0xaa: {  	s25 =	simm.s32 $0x1B8E;
	s24 =	sld [smem:$0x3FFE];
	[sflag:s23] =	ssyncadd.s32 $0xFFFFFFFF  }
0xab: {  	s26 =	simm.s32 $execute0_lowered;
	[smem:$0x3FD2] =	sst s25  }
0xac: {  	s5 =	sshll.u32 s26, $0x1;
	_ =	strace $0x80000046;
	[dreg:$0x1] =	wrdreg $0xFFFFFFFF  }
0xad: {  	s28 =	simm.s32 $_size_execute0_lowered;
	s3 =	sadd.s32 s3, s5;
	[dreg:$0x0] =	wrdreg $0x0  }
0xae: {  	s5 =	sshll.u32 s28, $0x1;
	[dreg:$0x2] =	wrdreg s3  }
0xaf: {  	[dreg:$0x3] =	wrdreg s5  }
0xb0: {  	[dreg:$0x4] =	wrdreg $0xC0  }
0xb1: {  	_ =	task [dreg:s7], $0x5FFFF  }
0xb2: {  	[dreg:$0x1] =	wrdreg $0xFFFFFFFF  }
0xb3: {  	[dreg:$0x0] =	wrdreg $0x60  }
0xb4: {  	[dreg:$0x2] =	wrdreg s16  }
0xb5: {  	[dreg:$0x3] =	wrdreg s24  }
0xb6: {  	[dreg:$0x4] =	wrdreg $0x68000  }
0xb7: {  	[dreg:$0x5] =	wrdreg $0x9  }
0xb8: {  	_ =	task.clear_ibuf [dreg:s7], $0x6FFFF;
	_ =	strace $0x90000046  }
0xb9: {  	s29 =	simm.s32 $0x9;
	_ =	strace $0x80000048  }
0xba: {  	_ =	swait.ge [sflag:s29], $0x1  }
0xbb: {  	[sflag:s29] =	ssyncadd.s32 $0xFFFFFFFF  }
0xbc: {  	_ =	strace $0x90000048  }
0xbd: {  	_ =	sfence  }
0xbe: {  	s30 =	sld [smem:$0x0];
	_ =	sdelay $0x2  }
0xbf: {  	s31 =	sshll.u32 s1, $0xD;
	s1 =	sshrl.u32 s1, $0x2  }
0xc0: {  	s3 =	sand.u32 $0x4000, s31;
	s1 =	sadd.s32 s1, s30  }
0xc1: {  	s0 =	sor.u32 s3, s0;
	s1 =	sshll.u32 s1, $0x11  }
0xc2: {  	s0 =	sor.u32 s1, s0  }
0xc3: {  	s0 =	sadd.s32 $0x8F2B, s0  }
0xc4: {  	[sflag:s0] =	ssyncadd.remote.s32 $0x1  }
0xc5: {  	_ =	sfence.sel $0xFFFF  }
0xc6: {  	[dreg:$0x0] =	wrdreg $0xFFFFFFFF;
	(pc) =	sbr.abs _section_cstart, $3  }
0xc7: {  	[dreg:$0x1] =	wrdreg $0xFFFFFFFF  }
0xc8: {  	_ =	task.clear_ibuf [dreg:s7], $0x2FFFF;
	_ =	strace $0x9FFFFFFF  }
0xc9: {  	(tm) =	ssettm $0x7FFFFFFF  }
tec
execute0_lowered:
.L_overlay_start_1:
0x0: {  	(tag) =	ssettag $0x1  }
0x1: {  	s5 =	rddreg [dreg:$0x0]  }
0x2: {  	s6 =	rddreg [dreg:$0x1];
	s0 =	srdreg.scid  }
0x3: {  	s2 =	rddreg [dreg:$0x2];
	s1 =	stileid.u32  }
0x4: {  	s3 =	simm.s32 $0x0;
	s12 =	simm.s32 $0x4000;
	s13 =	simm.s32 $0x0  }
0x5: {  	s7 =	sand.u32 $0x1, s0;
	s0 =	rddreg [dreg:$0x3];
	s8 =	smul.u32 $0x14000, s1  }
0x6: {  	[smem:$0x7FF] =	sst s3;
	s9 =	smul.u32 $0x50000, s1;
	s31 =	sshll.u32 s1, $0xB  }
0x7: {  	s11 =	sshll.u32 s1, $0x6;
	s4 =	smul.u32 $0x140000, s7;
	s10 =	ssub.s32 $0x2, s7  }
0x8: {  	_ =	strace $0x80000047;
	s7 =	sshll.u32 s7, $0xF;
	s30 =	sshrl.u32 s10, $0x1  }
0x9: {  	s9 =	sshrl.u32 s9, $0x2;
	s8 =	sadd.s32 s8, s4;
	s4 =	sadd.s32 $0x2A00, s6  }
0xa: {  	s10 =	ssub.s32 s10, s30;
	s9 =	sadd.s32 s9, s2;
	s8 =	sshrl.u32 s8, $0x3  }
0xb: {  	s9 =	sshrl.u32 s9, $0x3;
	s8 =	sadd.s32 s8, s6;
	s6 =	sadd.s32 s5, s31  }
0xc: {  	s5 =	sor.u32 $0x1C01, s11;
	s11 =	simm.s32 $0x50;
	s6 =	sadd.s32 s7, s6  }
0xd: {  	v0 =	vimm.f32 $1.000000000e+00;
	s7 =	sadd.s32 $0x5200, s8;
	s8 =	smax.u32 s10, $0x1;
	s10 =	simm.s32 $0x1  }
.LBB2_1:
0xe: {  	[spmem:s9], [sflag:s5] =	dma.local [hbm:s4], $0x2800  }
0xf: {  	_ =	swait.ge [sflag:s10], $0x2800  }
0x10: {  	[sflag:s10] =	ssyncset.done $0x0  }
0x11: {  	[sflag:s10] =	ssyncadd.s32 $0xFFFFD800  }
0x12: {  	[tilespmem:s3], [sflag:$0x1] =	stream.linear.gather [hbm4b:s6+s3], $0x3E80, $0x38;
	[tilespmem:$0x1A800] =	vst v63  }
0x13: {  	_ =	swait.ge [sflag:s10], $0x3E80  }
0x14: {  	[sflag:s10] =	ssyncset.done $0x0  }
0x15: {  	s14 =	simm.s32 $0x0;
	s15 =	simm.s32 $0x200;
	[sflag:s10] =	ssyncadd.s32 $0xFFFFC180  }
.LBB2_2:
0x16: {  	p0 =	sne.s32 s15, $0x9E00;
	[tilespmem:s14+$0x4070] =	vst v0  }
0x17: {  	[tilespmem:s14+$0x4000] =	vst v0  }
0x18: {  	[tilespmem:s14+$0x4010] =	vst v0  }
.Ltmp0:
0x19: {  	[tilespmem:s14+$0x4020] =	vst v0;
	(pc) =	sbr.rel @p0 .LBB2_2-.Ltmp0, $4  }
0x1a: {  	[tilespmem:s14+$0x4030] =	vst v0  }
0x1b: {  	[tilespmem:s14+$0x4040] =	vst v0  }
0x1c: {  	[tilespmem:s14+$0x4050] =	vst v0  }
0x1d: {  	[tilespmem:s14+$0x4060] =	vst v0;
	s14 =	sshra.s32 s15, $0x2;
	s15 =	sadd.s32 $0x200, s15  }
0x1e: {  	[tilespmem:s14+$0x4070] =	vst v0  }
0x1f: {  	[tilespmem:s14+$0x4000] =	vst v0  }
0x20: {  	[tilespmem:s14+$0x4010] =	vst v0  }
0x21: {  	[tilespmem:s14+$0x4020] =	vst v0  }
0x22: {  	[tilespmem:s14+$0x4030] =	vst v0  }
0x23: {  	[tilespmem:s14+$0x4040] =	vst v0  }
0x24: {  	[tilespmem:s14+$0x4050] =	vst v0  }
0x25: {  	[tilespmem:s14+$0x4060] =	vst v0  }
0x26: {  	s31 =	simm.s32 $0x0;
	[bflag:$0x0] =	sbarrier.arrive $0xFFFF  }
0x27: {  	[spmem:s2] =	stream.indirect.scatter.add.f32 [tilespmem:s12], [sflag:$0x1], $0x80, s31, s11, $0xb8;
	[tilespmem:$0x1A800] =	vst v63  }
0x28: {  	_ =	swait.ge [sflag:s10], $0x2800  }
0x29: {  	s14 =	simm.s32 $0x200;
	[sflag:s10] =	ssyncset.done $0x0  }
.LBB2_4:
0x2a: {  	s15 =	sshra.s32 s14, $0x2;
	[sflag:s10] =	ssyncadd.s32 $0xFFFFD800;
	p0 =	sne.s32 s14, $0xF800  }
0x2b: {  	[spmem:s2] =	stream.indirect.scatter.add.f32 [tilespmem:s12], [sflag:$0x1], $0x80, s15, s11, $0xb8;
	[tilespmem:$0x1A800] =	vst v63  }
.Ltmp1:
0x2c: {  	_ = 	snop;
	(pc) =	sbr.rel @p0 .LBB2_4-.Ltmp1, $4  }
0x2d: {  	_ = 	snop  }
0x2e: {  	s14 =	sadd.s32 $0x200, s14  }
0x2f: {  	_ =	swait.ge [sflag:s10], $0x2800  }
0x30: {  	[sflag:s10] =	ssyncset.done $0x0  }
0x31: {  	s13 =	sadd.s32 $0x1, s13  }
0x32: {  	[sflag:s10] =	ssyncadd.s32 $0xFFFFD800;
	p0 =	sne.s32 s13, s8  }
.Ltmp2:
0x33: {  	[bflag:$0x0] =	sbarrier.arrive $0xFFFF;
	(pc) =	sbr.rel @p0 .LBB2_1-.Ltmp2, $4  }
0x34: {  	[hbm:s7], [sflag:s5] =	dma.local [spmem:s9], $0x2800  }
0x35: {  	_ =	swait.ge [sflag:s10], $0x2800  }
0x36: {  	[sflag:s10] =	ssyncset.done $0x0  }
0x37: {  	[sflag:s10] =	ssyncadd.s32 $0xFFFFD800  }
0x38: {  	_ =	sfence.sel $0x180000  }
0x39: {  	[bflag:$0x0] =	sbarrier.arrive $0xFFFF  }
0x3a: {  	p0 =	sne.s32 s1, $0x0;
	_ =	strace $0x90000047  }
0x3b: {  	s0 =	sadd.s32 @!p0 $0x100000, s0;
	[bflag:$0x2] =	sbarrier.arrive $0xFFFF  }
0x3c: {  	[sflag:s0] =	ssyncadd.tile.s32 @!p0 $0x1;
	_ =	shalt  }
.Lfunc_end2:
_tile_overlayer_lowered:
.L_overlay_start_2:
0x3d: {  	(tag) =	ssettag $0x2  }
0x3e: {  	s0 =	rddreg [dreg:$0x0];
	s2 =	stileid.u32  }
0x3f: {  	s1 =	rddreg [dreg:$0x1];
	p0 =	sne.s32 s2, $0x0  }
0x40: {  	s3 =	rddreg [dreg:$0x2];
	[bflag:$0x3] =	sbarrier.arrive $0xFFFF;
	s2 =	simm.s32 @!p0 $0x1C01  }
0x41: {  	[timem:s3], [sflag:s2] =	dma.local @!p0 [hbm:s0], s1  }
0x42: {  	s0 =	simm.s32 @!p0 $0x1  }
0x43: {  	_ =	swait.ge @!p0 [sflag:s0], s1  }
0x44: {  	s1 =	ssub.s32 @!p0 $0x0, s1;
	[sflag:s0] =	ssyncset.done @!p0 $0x0  }
0x45: {  	[sflag:s0] =	ssyncadd.s32 @!p0 s1  }
0x46: {  	[bflag:$0x3] =	sbarrier.arrive $0xFFFF  }
0x47: {  	_ =	shalt  }

</sc_bundles>
